<compile_context>
chip_gen: v7x
topology: tpu7x:2x2x1
jax: 0.10.2.dev20260603
libtpu: 0.0.44.dev20260713+nightly
codegen_flags: <defaults>
</compile_context>

<pallas_src>
import jax
import jax.numpy as jnp
from jax import lax
from jax.experimental import pallas as pl
from jax.experimental.pallas import tpu as pltpu
from jax.experimental.pallas import tpu_sc as plsc

N = 10000
E = 320000
D = 128
N_PAD = 10240
NC, NS = 2, 16
NW = NC * NS
K = 128
NCH = 80
E_PAD = NW * NCH * K
KM = 80
NCM = 125
SPT = N_PAD // NS
RB = 1024


def _hist_body(col3_hbm, deg_hbm, idxb, rows, sh_deg):
    c = lax.axis_index("c")
    s = lax.axis_index("s")
    wid = s * NC + c
    z16 = jnp.zeros((16,), jnp.float32)
    one16 = jnp.full((16,), 1.0, jnp.float32)

    @pl.loop(0, (K * D) // 16)
    def _zero(i):
        rows[i >> 3, pl.ds((i & 7) * 16, 16)] = z16

    for b in range(SPT // K):
        pltpu.sync_copy(rows, sh_deg.at[pl.ds(s * SPT + b * K, K), :])

    @pl.loop(0, (K * D) // 16)
    def _ones(i):
        rows[i >> 3, pl.ds((i & 7) * 16, 16)] = one16

    pltpu.sync_copy(col3_hbm.at[wid], idxb)

    plsc.subcore_barrier()

    @pl.loop(0, NCH)
    def _count(j):
        pltpu.sync_copy(rows, sh_deg.at[idxb.at[j]], add=True)

    plsc.subcore_barrier()

    for b in range(SPT // K):
        pltpu.sync_copy(sh_deg.at[pl.ds(s * SPT + b * K, K), :], rows)
        pltpu.sync_copy(rows, deg_hbm.at[c, pl.ds(s * SPT + b * K, K), :])


def _msg_body(y_hbm, row3_hbm, col3_hbm, out_hbm, idx_r, idx_c, rows, sem,
              sh_acc):
    c = lax.axis_index("c")
    s = lax.axis_index("s")
    wid = s * NC + c
    z16 = jnp.zeros((16,), jnp.float32)

    @pl.loop(0, (KM * D) // 16)
    def _zero(i):
        rows[i >> 3, pl.ds((i & 7) * 16, 16)] = z16

    for b in range(SPT // KM):
        pltpu.sync_copy(rows, sh_acc.at[pl.ds(s * SPT + b * KM, KM), :])

    pltpu.sync_copy(row3_hbm.at[wid], idx_r)
    pltpu.sync_copy(col3_hbm.at[wid], idx_c)

    plsc.subcore_barrier()

    @pl.loop(0, NCM)
    def _edges(j):
        pltpu.async_copy(y_hbm.at[idx_r.at[j]], rows, sem).wait()
        pltpu.sync_copy(rows, sh_acc.at[idx_c.at[j]], add=True)

    plsc.subcore_barrier()

    for b in range(SPT // KM):
        pltpu.sync_copy(sh_acc.at[pl.ds(s * SPT + b * KM, KM), :], rows)
        pltpu.sync_copy(rows, out_hbm.at[c, pl.ds(s * SPT + b * KM, KM), :])


def _mm_body(x_ref, w_ref, dg_ref, y_ref):
    xw = lax.dot_general(x_ref[...], w_ref[...], (((1,), (1,)), ((), ())),
                         preferred_element_type=jnp.float32)
    deg = dg_ref[0, :, 0:1] + dg_ref[1, :, 0:1] + 1.0
    y_ref[...] = xw * lax.rsqrt(deg)


def _epi_body(p_ref, y_ref, dg_ref, b_ref, g_ref, bt_ref, m_ref, v_ref,
              o_ref):
    acc = p_ref[0] + p_ref[1] + y_ref[...]
    deg = dg_ref[0, :, 0:1] + dg_ref[1, :, 0:1] + 1.0
    h = acc * lax.rsqrt(deg) + b_ref[...]
    a = g_ref[...] * lax.rsqrt(v_ref[...] + 1e-5)
    h = (h - m_ref[...]) * a + bt_ref[...]
    o_ref[...] = jnp.maximum(h, 0.0)


def kernel(x, edge_index, edge_attr, batch, multihop_edge_index, distance,
           W, lin_b, bn_gamma, bn_beta, bn_mean, bn_var):
    del edge_attr, batch, multihop_edge_index, distance

    mesh = plsc.VectorSubcoreMesh(core_axis_name="c", subcore_axis_name="s")

    hist = pl.kernel(
        _hist_body,
        out_type=jax.ShapeDtypeStruct((NC, N_PAD, D), jnp.float32),
        mesh=mesh,
        scratch_types=[
            pltpu.VMEM((NCH, K), jnp.int32),
            pltpu.VMEM((K, D), jnp.float32),
            pltpu.VMEM_SHARED((N_PAD, D), jnp.float32),
        ],
    )

    msg = pl.kernel(
        _msg_body,
        out_type=jax.ShapeDtypeStruct((NC, N_PAD, D), jnp.float32),
        mesh=mesh,
        scratch_types=[
            pltpu.VMEM((NCM, KM), jnp.int32),
            pltpu.VMEM((NCM, KM), jnp.int32),
            pltpu.VMEM((KM, D), jnp.float32),
            pltpu.SemaphoreType.DMA,
            pltpu.VMEM_SHARED((N_PAD, D), jnp.float32),
        ],
    )

    grid = N_PAD // RB
    mm = pl.pallas_call(
        _mm_body,
        grid=(grid,),
        in_specs=[
            pl.BlockSpec((RB, D), lambda i: (i, 0)),
            pl.BlockSpec((D, D), lambda i: (0, 0)),
            pl.BlockSpec((NC, RB, D), lambda i: (0, i, 0)),
        ],
        out_specs=pl.BlockSpec((RB, D), lambda i: (i, 0)),
        out_shape=jax.ShapeDtypeStruct((N_PAD, D), jnp.float32),
    )

    epi = pl.pallas_call(
        _epi_body,
        grid=(grid,),
        in_specs=[
            pl.BlockSpec((NC, RB, D), lambda i: (0, i, 0)),
            pl.BlockSpec((RB, D), lambda i: (i, 0)),
            pl.BlockSpec((NC, RB, D), lambda i: (0, i, 0)),
        ] + [pl.BlockSpec((1, D), lambda i: (0, 0))] * 5,
        out_specs=pl.BlockSpec((RB, D), lambda i: (i, 0)),
        out_shape=jax.ShapeDtypeStruct((N_PAD, D), jnp.float32),
    )

    x_pad = jnp.pad(x, ((0, N_PAD - N), (0, 0)))
    colh = jnp.concatenate(
        [edge_index[1], jnp.full((E_PAD - E,), N_PAD - 1, jnp.int32)]
    ).reshape(NW, NCH, K)
    row3 = edge_index[0].reshape(NW, NCM, KM)
    col3 = edge_index[1].reshape(NW, NCM, KM)

    deg_p = hist(colh)
    y = mm(x_pad, W, deg_p)
    partial = msg(y, row3, col3)
    out = epi(partial, y, deg_p,
              lin_b.reshape(1, D), bn_gamma.reshape(1, D),
              bn_beta.reshape(1, D), bn_mean.reshape(1, D),
              bn_var.reshape(1, D))
    return out[:N]

# --- scband reference (transcript-rebuilt; emitter-appended) ---
"""Pipeline reference for scband-conv-block-14242111554126 (READ-ONLY COPY).

The authoritative reference and input builder live on the scoring server;
editing this copy changes nothing except your own understanding.
"""

import jax, jax.numpy as jnp
import numpy as np

N = 10000
E = 320000
D = 128
D_EDGE = 16

def setup_inputs(seed: int = 0) -> dict:
    key = jax.random.key(seed)
    ks = jax.random.split(key, 10)
    x = jax.random.normal(ks[0], (N, D), dtype=jnp.float32)
    edge_index = jax.random.randint(ks[1], (2, E), 0, N, dtype=jnp.int32)
    edge_attr = jax.random.normal(ks[2], (E, D_EDGE), dtype=jnp.float32)
    batch = jnp.sort(jax.random.randint(ks[3], (N,), 0, 128, dtype=jnp.int32))
    multihop_edge_index = jax.random.randint(ks[4], (2, E), 0, N, dtype=jnp.int32)
    distance = jax.random.randint(ks[5], (E,), 0, 5, dtype=jnp.int32)
    limit = 1.0 / np.sqrt(D)
    W = jax.random.uniform(ks[6], (D, D), minval=-limit, maxval=limit, dtype=jnp.float32)
    lin_b = jnp.zeros((D,), dtype=jnp.float32)
    bn_gamma = jnp.ones((D,), dtype=jnp.float32)
    bn_beta = jnp.zeros((D,), dtype=jnp.float32)
    bn_mean = jnp.zeros((D,), dtype=jnp.float32)
    bn_var = jnp.ones((D,), dtype=jnp.float32)
    return {"x": x, "edge_index": edge_index, "edge_attr": edge_attr, "batch": batch,
            "multihop_edge_index": multihop_edge_index, "distance": distance,
            "W": W, "lin_b": lin_b, "bn_gamma": bn_gamma, "bn_beta": bn_beta,
            "bn_mean": bn_mean, "bn_var": bn_var}

def _gcn_conv(x, edge_index, W, lin_b):
    # Faithful translation of torch_geometric GCNConv (add_self_loops=True, normalize=True):
    n = x.shape[0]
    row = edge_index[0]
    col = edge_index[1]
    loop = jnp.arange(n, dtype=row.dtype)
    row = jnp.concatenate([row, loop])
    col = jnp.concatenate([col, loop])
    deg = jnp.zeros((n,), dtype=x.dtype).at[col].add(1.0)
    deg_inv_sqrt = jnp.where(deg > 0, jax.lax.rsqrt(jnp.maximum(deg, 1e-12)), 0.0)
    norm = deg_inv_sqrt[row] * deg_inv_sqrt[col]
    xw = x @ W.T
    msg = xw[row] * norm[:, None]
    out = jnp.zeros((n, xw.shape[1]), dtype=x.dtype).at[col].add(msg)
    return out + lin_b

def reference(x, edge_index, edge_attr, batch, multihop_edge_index, distance,
              W, lin_b, bn_gamma, bn_beta, bn_mean, bn_var):
    # ConvBlock.forward with conv_type='gcn', virtual_node=False, dropout=0.0, last_layer=False.
    # edge_attr / batch / multihop_edge_index / distance are read from the data object
    # but unused on the gcn path.
    h = _gcn_conv(x, edge_index, W, lin_b)
    # BatchNorm1d (eval-mode semantics with running stats)
    h = (h - bn_mean) * jax.lax.rsqrt(bn_var + 1e-5) * bn_gamma + bn_beta
    # activation (F.relu), dropout with p=0.0 is identity
    h = jax.nn.relu(h)
    return h

if __name__ == "__main__":
    import jax
    _d = setup_inputs()
    print(jax.jit(kernel)(*tuple(_d.values())))

</pallas_src>

<mosaic_0001>
#map = affine_map<(d0, d1) -> (0, 0)>
#map1 = affine_map<(d0, d1) -> (0, 0, 0)>
module attributes {stable_mosaic.version = 14 : i64} {
  func.func @_msg_body(%arg0: i32, %arg1: i32, %arg2: memref<10240x128xf32, #tpu.memory_space<hbm>>, %arg3: memref<32x125x80xi32, #tpu.memory_space<hbm>>, %arg4: memref<32x125x80xi32, #tpu.memory_space<hbm>>, %arg5: memref<2x10240x128xf32, #tpu.memory_space<hbm>>, %arg6: memref<125x80xi32, #tpu.memory_space<vmem>>, %arg7: memref<125x80xi32, #tpu.memory_space<vmem>>, %arg8: memref<80x128xf32, #tpu.memory_space<vmem>>, %arg9: memref<!tpu.dma_semaphore, #tpu.memory_space<semaphore_mem>>, %arg10: memref<10240x128xf32, #tpu.memory_space<vmem_shared>>) attributes {dimension_semantics = [#tpu.dimension_semantics<core_parallel>, #tpu.dimension_semantics<subcore_parallel>], iteration_bounds = array<i64: 2, 16>, scalar_prefetch = 0 : i64, scratch_operands = 5 : i64, tpu.core_type = #tpu.core_type<sc_vector_subcore>, window_params = [{transform_indices = #map}, {transform_indices = #map1}, {transform_indices = #map1}, {transform_indices = #map1}]} {
    %mul3A = arith.constant 2 : i32
    %mul3A_0 = arith.muli %arg1, %mul3A : i32
    %add3A = arith.addi %mul3A_0, %arg0 : i32
    %broadcast_in_dim3A = arith.constant 0.000000e+00 : f32
    %broadcast_in_dim3A_1 = vector.broadcast %broadcast_in_dim3A : f32 to vector<16xf32>
    %scan3A = arith.constant 0 : i32
    %scan3A_2 = arith.constant 640 : i32
    %scan3A_3 = arith.addi %scan3A, %scan3A_2 : i32
    %scan3A_4 = arith.constant 1 : i32
    scf.for %scan3A_108 = %scan3A to %scan3A_3 step %scan3A_4  : i32 {
      %mul3A_109 = arith.constant 1 : i32
      %mul3A_110 = arith.muli %scan3A_108, %mul3A_109 : i32
      %add3A_111 = arith.constant 0 : i32
      %add3A_112 = arith.addi %add3A_111, %mul3A_110 : i32
      %shift_right_arithmetic3A = arith.constant 3 : i32
      %shift_right_arithmetic3A_113 = arith.shrsi %add3A_112, %shift_right_arithmetic3A : i32
      %and3A = arith.constant 7 : i32
      %and3A_114 = arith.andi %add3A_112, %and3A : i32
      %mul3A_115 = arith.constant 16 : i32
      %mul3A_116 = arith.muli %and3A_114, %mul3A_115 : i32
      %swap3A = arith.index_cast %shift_right_arithmetic3A_113 : i32 to index
      %swap3A_117 = arith.index_cast %mul3A_116 : i32 to index
      %swap3A_118 = tpu.vector_load %arg8[%swap3A, %swap3A_117] {strides = array<i32>} : memref<80x128xf32, #tpu.memory_space<vmem>>, vector<1x16xf32>,
      %swap3A_119 = vector.shape_cast %swap3A_118 : vector<1x16xf32> to vector<16xf32>
      %swap3A_120 = vector.shape_cast %broadcast_in_dim3A_1 : vector<16xf32> to vector<1x16xf32>
      tpu.vector_store %arg8[%swap3A, %swap3A_117], %swap3A_120 {strides = array<i32>} : memref<80x128xf32, #tpu.memory_space<vmem>>, vector<1x16xf32>,
    }
    %scan3A_5 = arith.constant 640 : i32
    %mul3A_6 = arith.constant 640 : i32
    %mul3A_7 = arith.muli %arg1, %mul3A_6 : i32
    %add3A_8 = arith.constant 0 : i32
    %add3A_9 = arith.addi %mul3A_7, %add3A_8 : i32
    "tpu.region"() ({
      %run_scoped3A = tpu.sem_alloc : memref<!tpu.dma_semaphore, #tpu.memory_space<semaphore_mem>>
      %dma_start3A = arith.constant 0 : i32
      %dma_start3A_108 = tpu.memref_slice %arg10[%add3A_9, %dma_start3A] : memref<10240x128xf32, #tpu.memory_space<vmem_shared>> -> memref<80x128xf32, #tpu.memory_space<vmem_shared>>
      %dma_start3A_109 = arith.constant 0 : i32
      %dma_start3A_110 = tpu.memref_slice %arg10[%add3A_9, %dma_start3A_109] : memref<10240x128xf32, #tpu.memory_space<vmem_shared>> -> memref<80x128xf32, #tpu.memory_space<vmem_shared>>
      tpu.enqueue_dma source(%arg8 : memref<80x128xf32, #tpu.memory_space<vmem>>) target(%dma_start3A_110 : memref<80x128xf32, #tpu.memory_space<vmem_shared>>) target_semaphore(%run_scoped3A : memref<!tpu.dma_semaphore, #tpu.memory_space<semaphore_mem>>)
      %dma_wait3A = arith.constant 0 : i32
      %dma_wait3A_111 = tpu.memref_slice %arg10[%add3A_9, %dma_wait3A] : memref<10240x128xf32, #tpu.memory_space<vmem_shared>> -> memref<80x128xf32, #tpu.memory_space<vmem_shared>>
      %dma_wait3A_112 = arith.constant 0 : i32
      %dma_wait3A_113 = tpu.memref_slice %arg10[%add3A_9, %dma_wait3A_112] : memref<10240x128xf32, #tpu.memory_space<vmem_shared>> -> memref<80x128xf32, #tpu.memory_space<vmem_shared>>
      tpu.wait_dma2 semaphore(%run_scoped3A : memref<!tpu.dma_semaphore, #tpu.memory_space<semaphore_mem>>) src(%arg8 : memref<80x128xf32, #tpu.memory_space<vmem>>) dst(%dma_wait3A_113 : memref<80x128xf32, #tpu.memory_space<vmem_shared>>)
      tpu.yield
    }) : () -> ()
    %mul3A_10 = arith.constant 640 : i32
    %mul3A_11 = arith.muli %arg1, %mul3A_10 : i32
    %add3A_12 = arith.constant 80 : i32
    %add3A_13 = arith.addi %mul3A_11, %add3A_12 : i32
    "tpu.region"() ({
      %run_scoped3A = tpu.sem_alloc : memref<!tpu.dma_semaphore, #tpu.memory_space<semaphore_mem>>
      %dma_start3A = arith.constant 0 : i32
      %dma_start3A_108 = tpu.memref_slice %arg10[%add3A_13, %dma_start3A] : memref<10240x128xf32, #tpu.memory_space<vmem_shared>> -> memref<80x128xf32, #tpu.memory_space<vmem_shared>>
      %dma_start3A_109 = arith.constant 0 : i32
      %dma_start3A_110 = tpu.memref_slice %arg10[%add3A_13, %dma_start3A_109] : memref<10240x128xf32, #tpu.memory_space<vmem_shared>> -> memref<80x128xf32, #tpu.memory_space<vmem_shared>>
      tpu.enqueue_dma source(%arg8 : memref<80x128xf32, #tpu.memory_space<vmem>>) target(%dma_start3A_110 : memref<80x128xf32, #tpu.memory_space<vmem_shared>>) target_semaphore(%run_scoped3A : memref<!tpu.dma_semaphore, #tpu.memory_space<semaphore_mem>>)
      %dma_wait3A = arith.constant 0 : i32
      %dma_wait3A_111 = tpu.memref_slice %arg10[%add3A_13, %dma_wait3A] : memref<10240x128xf32, #tpu.memory_space<vmem_shared>> -> memref<80x128xf32, #tpu.memory_space<vmem_shared>>
      %dma_wait3A_112 = arith.constant 0 : i32
      %dma_wait3A_113 = tpu.memref_slice %arg10[%add3A_13, %dma_wait3A_112] : memref<10240x128xf32, #tpu.memory_space<vmem_shared>> -> memref<80x128xf32, #tpu.memory_space<vmem_shared>>
      tpu.wait_dma2 semaphore(%run_scoped3A : memref<!tpu.dma_semaphore, #tpu.memory_space<semaphore_mem>>) src(%arg8 : memref<80x128xf32, #tpu.memory_space<vmem>>) dst(%dma_wait3A_113 : memref<80x128xf32, #tpu.memory_space<vmem_shared>>)
      tpu.yield
    }) : () -> ()
    %mul3A_14 = arith.constant 640 : i32
    %mul3A_15 = arith.muli %arg1, %mul3A_14 : i32
    %add3A_16 = arith.constant 160 : i32
    %add3A_17 = arith.addi %mul3A_15, %add3A_16 : i32
    "tpu.region"() ({
      %run_scoped3A = tpu.sem_alloc : memref<!tpu.dma_semaphore, #tpu.memory_space<semaphore_mem>>
      %dma_start3A = arith.constant 0 : i32
      %dma_start3A_108 = tpu.memref_slice %arg10[%add3A_17, %dma_start3A] : memref<10240x128xf32, #tpu.memory_space<vmem_shared>> -> memref<80x128xf32, #tpu.memory_space<vmem_shared>>
      %dma_start3A_109 = arith.constant 0 : i32
      %dma_start3A_110 = tpu.memref_slice %arg10[%add3A_17, %dma_start3A_109] : memref<10240x128xf32, #tpu.memory_space<vmem_shared>> -> memref<80x128xf32, #tpu.memory_space<vmem_shared>>
      tpu.enqueue_dma source(%arg8 : memref<80x128xf32, #tpu.memory_space<vmem>>) target(%dma_start3A_110 : memref<80x128xf32, #tpu.memory_space<vmem_shared>>) target_semaphore(%run_scoped3A : memref<!tpu.dma_semaphore, #tpu.memory_space<semaphore_mem>>)
      %dma_wait3A = arith.constant 0 : i32
      %dma_wait3A_111 = tpu.memref_slice %arg10[%add3A_17, %dma_wait3A] : memref<10240x128xf32, #tpu.memory_space<vmem_shared>> -> memref<80x128xf32, #tpu.memory_space<vmem_shared>>
      %dma_wait3A_112 = arith.constant 0 : i32
      %dma_wait3A_113 = tpu.memref_slice %arg10[%add3A_17, %dma_wait3A_112] : memref<10240x128xf32, #tpu.memory_space<vmem_shared>> -> memref<80x128xf32, #tpu.memory_space<vmem_shared>>
      tpu.wait_dma2 semaphore(%run_scoped3A : memref<!tpu.dma_semaphore, #tpu.memory_space<semaphore_mem>>) src(%arg8 : memref<80x128xf32, #tpu.memory_space<vmem>>) dst(%dma_wait3A_113 : memref<80x128xf32, #tpu.memory_space<vmem_shared>>)
      tpu.yield
    }) : () -> ()
    %mul3A_18 = arith.constant 640 : i32
    %mul3A_19 = arith.muli %arg1, %mul3A_18 : i32
    %add3A_20 = arith.constant 240 : i32
    %add3A_21 = arith.addi %mul3A_19, %add3A_20 : i32
    "tpu.region"() ({
      %run_scoped3A = tpu.sem_alloc : memref<!tpu.dma_semaphore, #tpu.memory_space<semaphore_mem>>
      %dma_start3A = arith.constant 0 : i32
      %dma_start3A_108 = tpu.memref_slice %arg10[%add3A_21, %dma_start3A] : memref<10240x128xf32, #tpu.memory_space<vmem_shared>> -> memref<80x128xf32, #tpu.memory_space<vmem_shared>>
      %dma_start3A_109 = arith.constant 0 : i32
      %dma_start3A_110 = tpu.memref_slice %arg10[%add3A_21, %dma_start3A_109] : memref<10240x128xf32, #tpu.memory_space<vmem_shared>> -> memref<80x128xf32, #tpu.memory_space<vmem_shared>>
      tpu.enqueue_dma source(%arg8 : memref<80x128xf32, #tpu.memory_space<vmem>>) target(%dma_start3A_110 : memref<80x128xf32, #tpu.memory_space<vmem_shared>>) target_semaphore(%run_scoped3A : memref<!tpu.dma_semaphore, #tpu.memory_space<semaphore_mem>>)
      %dma_wait3A = arith.constant 0 : i32
      %dma_wait3A_111 = tpu.memref_slice %arg10[%add3A_21, %dma_wait3A] : memref<10240x128xf32, #tpu.memory_space<vmem_shared>> -> memref<80x128xf32, #tpu.memory_space<vmem_shared>>
      %dma_wait3A_112 = arith.constant 0 : i32
      %dma_wait3A_113 = tpu.memref_slice %arg10[%add3A_21, %dma_wait3A_112] : memref<10240x128xf32, #tpu.memory_space<vmem_shared>> -> memref<80x128xf32, #tpu.memory_space<vmem_shared>>
      tpu.wait_dma2 semaphore(%run_scoped3A : memref<!tpu.dma_semaphore, #tpu.memory_space<semaphore_mem>>) src(%arg8 : memref<80x128xf32, #tpu.memory_space<vmem>>) dst(%dma_wait3A_113 : memref<80x128xf32, #tpu.memory_space<vmem_shared>>)
      tpu.yield
    }) : () -> ()
    %mul3A_22 = arith.constant 640 : i32
    %mul3A_23 = arith.muli %arg1, %mul3A_22 : i32
    %add3A_24 = arith.constant 320 : i32
    %add3A_25 = arith.addi %mul3A_23, %add3A_24 : i32
    "tpu.region"() ({
      %run_scoped3A = tpu.sem_alloc : memref<!tpu.dma_semaphore, #tpu.memory_space<semaphore_mem>>
      %dma_start3A = arith.constant 0 : i32
      %dma_start3A_108 = tpu.memref_slice %arg10[%add3A_25, %dma_start3A] : memref<10240x128xf32, #tpu.memory_space<vmem_shared>> -> memref<80x128xf32, #tpu.memory_space<vmem_shared>>
      %dma_start3A_109 = arith.constant 0 : i32
      %dma_start3A_110 = tpu.memref_slice %arg10[%add3A_25, %dma_start3A_109] : memref<10240x128xf32, #tpu.memory_space<vmem_shared>> -> memref<80x128xf32, #tpu.memory_space<vmem_shared>>
      tpu.enqueue_dma source(%arg8 : memref<80x128xf32, #tpu.memory_space<vmem>>) target(%dma_start3A_110 : memref<80x128xf32, #tpu.memory_space<vmem_shared>>) target_semaphore(%run_scoped3A : memref<!tpu.dma_semaphore, #tpu.memory_space<semaphore_mem>>)
      %dma_wait3A = arith.constant 0 : i32
      %dma_wait3A_111 = tpu.memref_slice %arg10[%add3A_25, %dma_wait3A] : memref<10240x128xf32, #tpu.memory_space<vmem_shared>> -> memref<80x128xf32, #tpu.memory_space<vmem_shared>>
      %dma_wait3A_112 = arith.constant 0 : i32
      %dma_wait3A_113 = tpu.memref_slice %arg10[%add3A_25, %dma_wait3A_112] : memref<10240x128xf32, #tpu.memory_space<vmem_shared>> -> memref<80x128xf32, #tpu.memory_space<vmem_shared>>
      tpu.wait_dma2 semaphore(%run_scoped3A : memref<!tpu.dma_semaphore, #tpu.memory_space<semaphore_mem>>) src(%arg8 : memref<80x128xf32, #tpu.memory_space<vmem>>) dst(%dma_wait3A_113 : memref<80x128xf32, #tpu.memory_space<vmem_shared>>)
      tpu.yield
    }) : () -> ()
    %mul3A_26 = arith.constant 640 : i32
    %mul3A_27 = arith.muli %arg1, %mul3A_26 : i32
    %add3A_28 = arith.constant 400 : i32
    %add3A_29 = arith.addi %mul3A_27, %add3A_28 : i32
    "tpu.region"() ({
      %run_scoped3A = tpu.sem_alloc : memref<!tpu.dma_semaphore, #tpu.memory_space<semaphore_mem>>
      %dma_start3A = arith.constant 0 : i32
      %dma_start3A_108 = tpu.memref_slice %arg10[%add3A_29, %dma_start3A] : memref<10240x128xf32, #tpu.memory_space<vmem_shared>> -> memref<80x128xf32, #tpu.memory_space<vmem_shared>>
      %dma_start3A_109 = arith.constant 0 : i32
      %dma_start3A_110 = tpu.memref_slice %arg10[%add3A_29, %dma_start3A_109] : memref<10240x128xf32, #tpu.memory_space<vmem_shared>> -> memref<80x128xf32, #tpu.memory_space<vmem_shared>>
      tpu.enqueue_dma source(%arg8 : memref<80x128xf32, #tpu.memory_space<vmem>>) target(%dma_start3A_110 : memref<80x128xf32, #tpu.memory_space<vmem_shared>>) target_semaphore(%run_scoped3A : memref<!tpu.dma_semaphore, #tpu.memory_space<semaphore_mem>>)
      %dma_wait3A = arith.constant 0 : i32
      %dma_wait3A_111 = tpu.memref_slice %arg10[%add3A_29, %dma_wait3A] : memref<10240x128xf32, #tpu.memory_space<vmem_shared>> -> memref<80x128xf32, #tpu.memory_space<vmem_shared>>
      %dma_wait3A_112 = arith.constant 0 : i32
      %dma_wait3A_113 = tpu.memref_slice %arg10[%add3A_29, %dma_wait3A_112] : memref<10240x128xf32, #tpu.memory_space<vmem_shared>> -> memref<80x128xf32, #tpu.memory_space<vmem_shared>>
      tpu.wait_dma2 semaphore(%run_scoped3A : memref<!tpu.dma_semaphore, #tpu.memory_space<semaphore_mem>>) src(%arg8 : memref<80x128xf32, #tpu.memory_space<vmem>>) dst(%dma_wait3A_113 : memref<80x128xf32, #tpu.memory_space<vmem_shared>>)
      tpu.yield
    }) : () -> ()
    %mul3A_30 = arith.constant 640 : i32
    %mul3A_31 = arith.muli %arg1, %mul3A_30 : i32
    %add3A_32 = arith.constant 480 : i32
    %add3A_33 = arith.addi %mul3A_31, %add3A_32 : i32
    "tpu.region"() ({
      %run_scoped3A = tpu.sem_alloc : memref<!tpu.dma_semaphore, #tpu.memory_space<semaphore_mem>>
      %dma_start3A = arith.constant 0 : i32
      %dma_start3A_108 = tpu.memref_slice %arg10[%add3A_33, %dma_start3A] : memref<10240x128xf32, #tpu.memory_space<vmem_shared>> -> memref<80x128xf32, #tpu.memory_space<vmem_shared>>
      %dma_start3A_109 = arith.constant 0 : i32
      %dma_start3A_110 = tpu.memref_slice %arg10[%add3A_33, %dma_start3A_109] : memref<10240x128xf32, #tpu.memory_space<vmem_shared>> -> memref<80x128xf32, #tpu.memory_space<vmem_shared>>
      tpu.enqueue_dma source(%arg8 : memref<80x128xf32, #tpu.memory_space<vmem>>) target(%dma_start3A_110 : memref<80x128xf32, #tpu.memory_space<vmem_shared>>) target_semaphore(%run_scoped3A : memref<!tpu.dma_semaphore, #tpu.memory_space<semaphore_mem>>)
      %dma_wait3A = arith.constant 0 : i32
      %dma_wait3A_111 = tpu.memref_slice %arg10[%add3A_33, %dma_wait3A] : memref<10240x128xf32, #tpu.memory_space<vmem_shared>> -> memref<80x128xf32, #tpu.memory_space<vmem_shared>>
      %dma_wait3A_112 = arith.constant 0 : i32
      %dma_wait3A_113 = tpu.memref_slice %arg10[%add3A_33, %dma_wait3A_112] : memref<10240x128xf32, #tpu.memory_space<vmem_shared>> -> memref<80x128xf32, #tpu.memory_space<vmem_shared>>
      tpu.wait_dma2 semaphore(%run_scoped3A : memref<!tpu.dma_semaphore, #tpu.memory_space<semaphore_mem>>) src(%arg8 : memref<80x128xf32, #tpu.memory_space<vmem>>) dst(%dma_wait3A_113 : memref<80x128xf32, #tpu.memory_space<vmem_shared>>)
      tpu.yield
    }) : () -> ()
    %mul3A_34 = arith.constant 640 : i32
    %mul3A_35 = arith.muli %arg1, %mul3A_34 : i32
    %add3A_36 = arith.constant 560 : i32
    %add3A_37 = arith.addi %mul3A_35, %add3A_36 : i32
    "tpu.region"() ({
      %run_scoped3A = tpu.sem_alloc : memref<!tpu.dma_semaphore, #tpu.memory_space<semaphore_mem>>
      %dma_start3A = arith.constant 0 : i32
      %dma_start3A_108 = tpu.memref_slice %arg10[%add3A_37, %dma_start3A] : memref<10240x128xf32, #tpu.memory_space<vmem_shared>> -> memref<80x128xf32, #tpu.memory_space<vmem_shared>>
      %dma_start3A_109 = arith.constant 0 : i32
      %dma_start3A_110 = tpu.memref_slice %arg10[%add3A_37, %dma_start3A_109] : memref<10240x128xf32, #tpu.memory_space<vmem_shared>> -> memref<80x128xf32, #tpu.memory_space<vmem_shared>>
      tpu.enqueue_dma source(%arg8 : memref<80x128xf32, #tpu.memory_space<vmem>>) target(%dma_start3A_110 : memref<80x128xf32, #tpu.memory_space<vmem_shared>>) target_semaphore(%run_scoped3A : memref<!tpu.dma_semaphore, #tpu.memory_space<semaphore_mem>>)
      %dma_wait3A = arith.constant 0 : i32
      %dma_wait3A_111 = tpu.memref_slice %arg10[%add3A_37, %dma_wait3A] : memref<10240x128xf32, #tpu.memory_space<vmem_shared>> -> memref<80x128xf32, #tpu.memory_space<vmem_shared>>
      %dma_wait3A_112 = arith.constant 0 : i32
      %dma_wait3A_113 = tpu.memref_slice %arg10[%add3A_37, %dma_wait3A_112] : memref<10240x128xf32, #tpu.memory_space<vmem_shared>> -> memref<80x128xf32, #tpu.memory_space<vmem_shared>>
      tpu.wait_dma2 semaphore(%run_scoped3A : memref<!tpu.dma_semaphore, #tpu.memory_space<semaphore_mem>>) src(%arg8 : memref<80x128xf32, #tpu.memory_space<vmem>>) dst(%dma_wait3A_113 : memref<80x128xf32, #tpu.memory_space<vmem_shared>>)
      tpu.yield
    }) : () -> ()
    "tpu.region"() ({
      %run_scoped3A = tpu.sem_alloc : memref<!tpu.dma_semaphore, #tpu.memory_space<semaphore_mem>>
      %dma_start3A = arith.constant 0 : i32
      %dma_start3A_108 = arith.constant 0 : i32
      %dma_start3A_109 = tpu.memref_slice %arg3[%add3A, %dma_start3A, %dma_start3A_108] : memref<32x125x80xi32, #tpu.memory_space<hbm>> -> memref<1x125x80xi32, #tpu.memory_space<hbm>>
      %dma_start3A_110 = tpu.memref_squeeze %dma_start3A_109 : memref<1x125x80xi32, #tpu.memory_space<hbm>> -> memref<125x80xi32, #tpu.memory_space<hbm>>
      %dma_start3A_111 = arith.constant 0 : i32
      %dma_start3A_112 = arith.constant 0 : i32
      %dma_start3A_113 = tpu.memref_slice %arg3[%add3A, %dma_start3A_111, %dma_start3A_112] : memref<32x125x80xi32, #tpu.memory_space<hbm>> -> memref<1x125x80xi32, #tpu.memory_space<hbm>>
      %dma_start3A_114 = tpu.memref_squeeze %dma_start3A_113 : memref<1x125x80xi32, #tpu.memory_space<hbm>> -> memref<125x80xi32, #tpu.memory_space<hbm>>
      tpu.enqueue_dma source(%dma_start3A_114 : memref<125x80xi32, #tpu.memory_space<hbm>>) target(%arg6 : memref<125x80xi32, #tpu.memory_space<vmem>>) target_semaphore(%run_scoped3A : memref<!tpu.dma_semaphore, #tpu.memory_space<semaphore_mem>>)
      %dma_wait3A = arith.constant 0 : i32
      %dma_wait3A_115 = arith.constant 0 : i32
      %dma_wait3A_116 = tpu.memref_slice %arg3[%add3A, %dma_wait3A, %dma_wait3A_115] : memref<32x125x80xi32, #tpu.memory_space<hbm>> -> memref<1x125x80xi32, #tpu.memory_space<hbm>>
      %dma_wait3A_117 = tpu.memref_squeeze %dma_wait3A_116 : memref<1x125x80xi32, #tpu.memory_space<hbm>> -> memref<125x80xi32, #tpu.memory_space<hbm>>
      %dma_wait3A_118 = arith.constant 0 : i32
      %dma_wait3A_119 = arith.constant 0 : i32
      %dma_wait3A_120 = tpu.memref_slice %arg3[%add3A, %dma_wait3A_118, %dma_wait3A_119] : memref<32x125x80xi32, #tpu.memory_space<hbm>> -> memref<1x125x80xi32, #tpu.memory_space<hbm>>
      %dma_wait3A_121 = tpu.memref_squeeze %dma_wait3A_120 : memref<1x125x80xi32, #tpu.memory_space<hbm>> -> memref<125x80xi32, #tpu.memory_space<hbm>>
      tpu.wait_dma2 semaphore(%run_scoped3A : memref<!tpu.dma_semaphore, #tpu.memory_space<semaphore_mem>>) src(%dma_wait3A_121 : memref<125x80xi32, #tpu.memory_space<hbm>>) dst(%arg6 : memref<125x80xi32, #tpu.memory_space<vmem>>)
      tpu.yield
    }) : () -> ()
    "tpu.region"() ({
      %run_scoped3A = tpu.sem_alloc : memref<!tpu.dma_semaphore, #tpu.memory_space<semaphore_mem>>
      %dma_start3A = arith.constant 0 : i32
      %dma_start3A_108 = arith.constant 0 : i32
      %dma_start3A_109 = tpu.memref_slice %arg4[%add3A, %dma_start3A, %dma_start3A_108] : memref<32x125x80xi32, #tpu.memory_space<hbm>> -> memref<1x125x80xi32, #tpu.memory_space<hbm>>
      %dma_start3A_110 = tpu.memref_squeeze %dma_start3A_109 : memref<1x125x80xi32, #tpu.memory_space<hbm>> -> memref<125x80xi32, #tpu.memory_space<hbm>>
      %dma_start3A_111 = arith.constant 0 : i32
      %dma_start3A_112 = arith.constant 0 : i32
      %dma_start3A_113 = tpu.memref_slice %arg4[%add3A, %dma_start3A_111, %dma_start3A_112] : memref<32x125x80xi32, #tpu.memory_space<hbm>> -> memref<1x125x80xi32, #tpu.memory_space<hbm>>
      %dma_start3A_114 = tpu.memref_squeeze %dma_start3A_113 : memref<1x125x80xi32, #tpu.memory_space<hbm>> -> memref<125x80xi32, #tpu.memory_space<hbm>>
      tpu.enqueue_dma source(%dma_start3A_114 : memref<125x80xi32, #tpu.memory_space<hbm>>) target(%arg7 : memref<125x80xi32, #tpu.memory_space<vmem>>) target_semaphore(%run_scoped3A : memref<!tpu.dma_semaphore, #tpu.memory_space<semaphore_mem>>)
      %dma_wait3A = arith.constant 0 : i32
      %dma_wait3A_115 = arith.constant 0 : i32
      %dma_wait3A_116 = tpu.memref_slice %arg4[%add3A, %dma_wait3A, %dma_wait3A_115] : memref<32x125x80xi32, #tpu.memory_space<hbm>> -> memref<1x125x80xi32, #tpu.memory_space<hbm>>
      %dma_wait3A_117 = tpu.memref_squeeze %dma_wait3A_116 : memref<1x125x80xi32, #tpu.memory_space<hbm>> -> memref<125x80xi32, #tpu.memory_space<hbm>>
      %dma_wait3A_118 = arith.constant 0 : i32
      %dma_wait3A_119 = arith.constant 0 : i32
      %dma_wait3A_120 = tpu.memref_slice %arg4[%add3A, %dma_wait3A_118, %dma_wait3A_119] : memref<32x125x80xi32, #tpu.memory_space<hbm>> -> memref<1x125x80xi32, #tpu.memory_space<hbm>>
      %dma_wait3A_121 = tpu.memref_squeeze %dma_wait3A_120 : memref<1x125x80xi32, #tpu.memory_space<hbm>> -> memref<125x80xi32, #tpu.memory_space<hbm>>
      tpu.wait_dma2 semaphore(%run_scoped3A : memref<!tpu.dma_semaphore, #tpu.memory_space<semaphore_mem>>) src(%dma_wait3A_121 : memref<125x80xi32, #tpu.memory_space<hbm>>) dst(%arg7 : memref<125x80xi32, #tpu.memory_space<vmem>>)
      tpu.yield
    }) : () -> ()
    %barrier3A = arith.constant 0 : index
    tpu.barrier barrier_id(%barrier3A)
    %scan3A_38 = arith.constant 0 : i32
    %scan3A_39 = arith.constant 125 : i32
    %scan3A_40 = arith.addi %scan3A_38, %scan3A_39 : i32
    %scan3A_41 = arith.constant 1 : i32
    scf.for %scan3A_108 = %scan3A_38 to %scan3A_40 step %scan3A_41  : i32 {
      %mul3A_109 = arith.constant 1 : i32
      %mul3A_110 = arith.muli %scan3A_108, %mul3A_109 : i32
      %add3A_111 = arith.constant 0 : i32
      %add3A_112 = arith.addi %add3A_111, %mul3A_110 : i32
      %dma_start3A = arith.constant 0 : i32
      %dma_start3A_113 = tpu.memref_slice %arg6[%add3A_112, %dma_start3A] : memref<125x80xi32, #tpu.memory_space<vmem>> -> memref<1x80xi32, #tpu.memory_space<vmem>>
      %dma_start3A_114 = tpu.memref_squeeze %dma_start3A_113 : memref<1x80xi32, #tpu.memory_space<vmem>> -> memref<80xi32, #tpu.memory_space<vmem>>
      %dma_start3A_115 = arith.constant 0 : i32
      %dma_start3A_116 = arith.constant 0 : i32
      %dma_start3A_117 = tpu.memref_slice %arg2[%dma_start3A_115, %dma_start3A_116] : memref<10240x128xf32, #tpu.memory_space<hbm>> -> memref<10240x128xf32, #tpu.memory_space<hbm>>
      tpu.enqueue_indirect_dma source(%dma_start3A_117 : memref<10240x128xf32, #tpu.memory_space<hbm>>) target(%arg8 : memref<80x128xf32, #tpu.memory_space<vmem>>) offsets(%dma_start3A_114 : memref<80xi32, #tpu.memory_space<vmem>>) semaphore(%arg9 : memref<!tpu.dma_semaphore, #tpu.memory_space<semaphore_mem>>)
      %dma_wait3A = arith.constant 0 : i32
      %dma_wait3A_118 = tpu.memref_slice %arg6[%add3A_112, %dma_wait3A] : memref<125x80xi32, #tpu.memory_space<vmem>> -> memref<1x80xi32, #tpu.memory_space<vmem>>
      %dma_wait3A_119 = tpu.memref_squeeze %dma_wait3A_118 : memref<1x80xi32, #tpu.memory_space<vmem>> -> memref<80xi32, #tpu.memory_space<vmem>>
      %dma_wait3A_120 = arith.constant 0 : i32
      %dma_wait3A_121 = arith.constant 0 : i32
      %dma_wait3A_122 = tpu.memref_slice %arg2[%dma_wait3A_120, %dma_wait3A_121] : memref<10240x128xf32, #tpu.memory_space<hbm>> -> memref<10240x128xf32, #tpu.memory_space<hbm>>
      tpu.wait_indirect_dma semaphore(%arg9 : memref<!tpu.dma_semaphore, #tpu.memory_space<semaphore_mem>>) src(%dma_wait3A_122 : memref<10240x128xf32, #tpu.memory_space<hbm>>) dst(%arg8 : memref<80x128xf32, #tpu.memory_space<vmem>>)
      "tpu.region"() ({
        %run_scoped3A = tpu.sem_alloc : memref<!tpu.dma_semaphore, #tpu.memory_space<semaphore_mem>>
        %dma_start3A_123 = arith.constant 0 : i32
        %dma_start3A_124 = tpu.memref_slice %arg7[%add3A_112, %dma_start3A_123] : memref<125x80xi32, #tpu.memory_space<vmem>> -> memref<1x80xi32, #tpu.memory_space<vmem>>
        %dma_start3A_125 = tpu.memref_squeeze %dma_start3A_124 : memref<1x80xi32, #tpu.memory_space<vmem>> -> memref<80xi32, #tpu.memory_space<vmem>>
        %dma_start3A_126 = arith.constant 0 : i32
        %dma_start3A_127 = arith.constant 0 : i32
        %dma_start3A_128 = tpu.memref_slice %arg10[%dma_start3A_126, %dma_start3A_127] : memref<10240x128xf32, #tpu.memory_space<vmem_shared>> -> memref<10240x128xf32, #tpu.memory_space<vmem_shared>>
        tpu.enqueue_indirect_dma source(%arg8 : memref<80x128xf32, #tpu.memory_space<vmem>>) target(%dma_start3A_128 : memref<10240x128xf32, #tpu.memory_space<vmem_shared>>) offsets(%dma_start3A_125 : memref<80xi32, #tpu.memory_space<vmem>>) semaphore(%run_scoped3A : memref<!tpu.dma_semaphore, #tpu.memory_space<semaphore_mem>>) {add = true}
        %dma_wait3A_129 = arith.constant 0 : i32
        %dma_wait3A_130 = tpu.memref_slice %arg7[%add3A_112, %dma_wait3A_129] : memref<125x80xi32, #tpu.memory_space<vmem>> -> memref<1x80xi32, #tpu.memory_space<vmem>>
        %dma_wait3A_131 = tpu.memref_squeeze %dma_wait3A_130 : memref<1x80xi32, #tpu.memory_space<vmem>> -> memref<80xi32, #tpu.memory_space<vmem>>
        %dma_wait3A_132 = arith.constant 0 : i32
        %dma_wait3A_133 = arith.constant 0 : i32
        %dma_wait3A_134 = tpu.memref_slice %arg10[%dma_wait3A_132, %dma_wait3A_133] : memref<10240x128xf32, #tpu.memory_space<vmem_shared>> -> memref<10240x128xf32, #tpu.memory_space<vmem_shared>>
        tpu.wait_indirect_dma semaphore(%run_scoped3A : memref<!tpu.dma_semaphore, #tpu.memory_space<semaphore_mem>>) src(%arg8 : memref<80x128xf32, #tpu.memory_space<vmem>>) dst(%dma_wait3A_134 : memref<10240x128xf32, #tpu.memory_space<vmem_shared>>)
        tpu.yield
      }) : () -> ()
    }
    %scan3A_42 = arith.constant 125 : i32
    %barrier3A_43 = arith.constant 0 : index
    tpu.barrier barrier_id(%barrier3A_43)
    %mul3A_44 = arith.constant 640 : i32
    %mul3A_45 = arith.muli %arg1, %mul3A_44 : i32
    %add3A_46 = arith.constant 0 : i32
    %add3A_47 = arith.addi %mul3A_45, %add3A_46 : i32
    "tpu.region"() ({
      %run_scoped3A = tpu.sem_alloc : memref<!tpu.dma_semaphore, #tpu.memory_space<semaphore_mem>>
      %dma_start3A = arith.constant 0 : i32
      %dma_start3A_108 = tpu.memref_slice %arg10[%add3A_47, %dma_start3A] : memref<10240x128xf32, #tpu.memory_space<vmem_shared>> -> memref<80x128xf32, #tpu.memory_space<vmem_shared>>
      %dma_start3A_109 = arith.constant 0 : i32
      %dma_start3A_110 = tpu.memref_slice %arg10[%add3A_47, %dma_start3A_109] : memref<10240x128xf32, #tpu.memory_space<vmem_shared>> -> memref<80x128xf32, #tpu.memory_space<vmem_shared>>
      tpu.enqueue_dma source(%dma_start3A_110 : memref<80x128xf32, #tpu.memory_space<vmem_shared>>) target(%arg8 : memref<80x128xf32, #tpu.memory_space<vmem>>) target_semaphore(%run_scoped3A : memref<!tpu.dma_semaphore, #tpu.memory_space<semaphore_mem>>)
      %dma_wait3A = arith.constant 0 : i32
      %dma_wait3A_111 = tpu.memref_slice %arg10[%add3A_47, %dma_wait3A] : memref<10240x128xf32, #tpu.memory_space<vmem_shared>> -> memref<80x128xf32, #tpu.memory_space<vmem_shared>>
      %dma_wait3A_112 = arith.constant 0 : i32
      %dma_wait3A_113 = tpu.memref_slice %arg10[%add3A_47, %dma_wait3A_112] : memref<10240x128xf32, #tpu.memory_space<vmem_shared>> -> memref<80x128xf32, #tpu.memory_space<vmem_shared>>
      tpu.wait_dma2 semaphore(%run_scoped3A : memref<!tpu.dma_semaphore, #tpu.memory_space<semaphore_mem>>) src(%dma_wait3A_113 : memref<80x128xf32, #tpu.memory_space<vmem_shared>>) dst(%arg8 : memref<80x128xf32, #tpu.memory_space<vmem>>)
      tpu.yield
    }) : () -> ()
    %mul3A_48 = arith.constant 640 : i32
    %mul3A_49 = arith.muli %arg1, %mul3A_48 : i32
    %add3A_50 = arith.constant 0 : i32
    %add3A_51 = arith.addi %mul3A_49, %add3A_50 : i32
    "tpu.region"() ({
      %run_scoped3A = tpu.sem_alloc : memref<!tpu.dma_semaphore, #tpu.memory_space<semaphore_mem>>
      %dma_start3A = arith.constant 0 : i32
      %dma_start3A_108 = tpu.memref_slice %arg5[%arg0, %add3A_51, %dma_start3A] : memref<2x10240x128xf32, #tpu.memory_space<hbm>> -> memref<1x80x128xf32, #tpu.memory_space<hbm>>
      %dma_start3A_109 = tpu.memref_squeeze %dma_start3A_108 : memref<1x80x128xf32, #tpu.memory_space<hbm>> -> memref<80x128xf32, #tpu.memory_space<hbm>>
      %dma_start3A_110 = arith.constant 0 : i32
      %dma_start3A_111 = tpu.memref_slice %arg5[%arg0, %add3A_51, %dma_start3A_110] : memref<2x10240x128xf32, #tpu.memory_space<hbm>> -> memref<1x80x128xf32, #tpu.memory_space<hbm>>
      %dma_start3A_112 = tpu.memref_squeeze %dma_start3A_111 : memref<1x80x128xf32, #tpu.memory_space<hbm>> -> memref<80x128xf32, #tpu.memory_space<hbm>>
      tpu.enqueue_dma source(%arg8 : memref<80x128xf32, #tpu.memory_space<vmem>>) target(%dma_start3A_112 : memref<80x128xf32, #tpu.memory_space<hbm>>) target_semaphore(%run_scoped3A : memref<!tpu.dma_semaphore, #tpu.memory_space<semaphore_mem>>)
      %dma_wait3A = arith.constant 0 : i32
      %dma_wait3A_113 = tpu.memref_slice %arg5[%arg0, %add3A_51, %dma_wait3A] : memref<2x10240x128xf32, #tpu.memory_space<hbm>> -> memref<1x80x128xf32, #tpu.memory_space<hbm>>
      %dma_wait3A_114 = tpu.memref_squeeze %dma_wait3A_113 : memref<1x80x128xf32, #tpu.memory_space<hbm>> -> memref<80x128xf32, #tpu.memory_space<hbm>>
      %dma_wait3A_115 = arith.constant 0 : i32
      %dma_wait3A_116 = tpu.memref_slice %arg5[%arg0, %add3A_51, %dma_wait3A_115] : memref<2x10240x128xf32, #tpu.memory_space<hbm>> -> memref<1x80x128xf32, #tpu.memory_space<hbm>>
      %dma_wait3A_117 = tpu.memref_squeeze %dma_wait3A_116 : memref<1x80x128xf32, #tpu.memory_space<hbm>> -> memref<80x128xf32, #tpu.memory_space<hbm>>
      tpu.wait_dma2 semaphore(%run_scoped3A : memref<!tpu.dma_semaphore, #tpu.memory_space<semaphore_mem>>) src(%arg8 : memref<80x128xf32, #tpu.memory_space<vmem>>) dst(%dma_wait3A_117 : memref<80x128xf32, #tpu.memory_space<hbm>>)
      tpu.yield
    }) : () -> ()
    %mul3A_52 = arith.constant 640 : i32
    %mul3A_53 = arith.muli %arg1, %mul3A_52 : i32
    %add3A_54 = arith.constant 80 : i32
    %add3A_55 = arith.addi %mul3A_53, %add3A_54 : i32
    "tpu.region"() ({
      %run_scoped3A = tpu.sem_alloc : memref<!tpu.dma_semaphore, #tpu.memory_space<semaphore_mem>>
      %dma_start3A = arith.constant 0 : i32
      %dma_start3A_108 = tpu.memref_slice %arg10[%add3A_55, %dma_start3A] : memref<10240x128xf32, #tpu.memory_space<vmem_shared>> -> memref<80x128xf32, #tpu.memory_space<vmem_shared>>
      %dma_start3A_109 = arith.constant 0 : i32
      %dma_start3A_110 = tpu.memref_slice %arg10[%add3A_55, %dma_start3A_109] : memref<10240x128xf32, #tpu.memory_space<vmem_shared>> -> memref<80x128xf32, #tpu.memory_space<vmem_shared>>
      tpu.enqueue_dma source(%dma_start3A_110 : memref<80x128xf32, #tpu.memory_space<vmem_shared>>) target(%arg8 : memref<80x128xf32, #tpu.memory_space<vmem>>) target_semaphore(%run_scoped3A : memref<!tpu.dma_semaphore, #tpu.memory_space<semaphore_mem>>)
      %dma_wait3A = arith.constant 0 : i32
      %dma_wait3A_111 = tpu.memref_slice %arg10[%add3A_55, %dma_wait3A] : memref<10240x128xf32, #tpu.memory_space<vmem_shared>> -> memref<80x128xf32, #tpu.memory_space<vmem_shared>>
      %dma_wait3A_112 = arith.constant 0 : i32
      %dma_wait3A_113 = tpu.memref_slice %arg10[%add3A_55, %dma_wait3A_112] : memref<10240x128xf32, #tpu.memory_space<vmem_shared>> -> memref<80x128xf32, #tpu.memory_space<vmem_shared>>
      tpu.wait_dma2 semaphore(%run_scoped3A : memref<!tpu.dma_semaphore, #tpu.memory_space<semaphore_mem>>) src(%dma_wait3A_113 : memref<80x128xf32, #tpu.memory_space<vmem_shared>>) dst(%arg8 : memref<80x128xf32, #tpu.memory_space<vmem>>)
      tpu.yield
    }) : () -> ()
    %mul3A_56 = arith.constant 640 : i32
    %mul3A_57 = arith.muli %arg1, %mul3A_56 : i32
    %add3A_58 = arith.constant 80 : i32
    %add3A_59 = arith.addi %mul3A_57, %add3A_58 : i32
    "tpu.region"() ({
      %run_scoped3A = tpu.sem_alloc : memref<!tpu.dma_semaphore, #tpu.memory_space<semaphore_mem>>
      %dma_start3A = arith.constant 0 : i32
      %dma_start3A_108 = tpu.memref_slice %arg5[%arg0, %add3A_59, %dma_start3A] : memref<2x10240x128xf32, #tpu.memory_space<hbm>> -> memref<1x80x128xf32, #tpu.memory_space<hbm>>
      %dma_start3A_109 = tpu.memref_squeeze %dma_start3A_108 : memref<1x80x128xf32, #tpu.memory_space<hbm>> -> memref<80x128xf32, #tpu.memory_space<hbm>>
      %dma_start3A_110 = arith.constant 0 : i32
      %dma_start3A_111 = tpu.memref_slice %arg5[%arg0, %add3A_59, %dma_start3A_110] : memref<2x10240x128xf32, #tpu.memory_space<hbm>> -> memref<1x80x128xf32, #tpu.memory_space<hbm>>
      %dma_start3A_112 = tpu.memref_squeeze %dma_start3A_111 : memref<1x80x128xf32, #tpu.memory_space<hbm>> -> memref<80x128xf32, #tpu.memory_space<hbm>>
      tpu.enqueue_dma source(%arg8 : memref<80x128xf32, #tpu.memory_space<vmem>>) target(%dma_start3A_112 : memref<80x128xf32, #tpu.memory_space<hbm>>) target_semaphore(%run_scoped3A : memref<!tpu.dma_semaphore, #tpu.memory_space<semaphore_mem>>)
      %dma_wait3A = arith.constant 0 : i32
      %dma_wait3A_113 = tpu.memref_slice %arg5[%arg0, %add3A_59, %dma_wait3A] : memref<2x10240x128xf32, #tpu.memory_space<hbm>> -> memref<1x80x128xf32, #tpu.memory_space<hbm>>
      %dma_wait3A_114 = tpu.memref_squeeze %dma_wait3A_113 : memref<1x80x128xf32, #tpu.memory_space<hbm>> -> memref<80x128xf32, #tpu.memory_space<hbm>>
      %dma_wait3A_115 = arith.constant 0 : i32
      %dma_wait3A_116 = tpu.memref_slice %arg5[%arg0, %add3A_59, %dma_wait3A_115] : memref<2x10240x128xf32, #tpu.memory_space<hbm>> -> memref<1x80x128xf32, #tpu.memory_space<hbm>>
      %dma_wait3A_117 = tpu.memref_squeeze %dma_wait3A_116 : memref<1x80x128xf32, #tpu.memory_space<hbm>> -> memref<80x128xf32, #tpu.memory_space<hbm>>
      tpu.wait_dma2 semaphore(%run_scoped3A : memref<!tpu.dma_semaphore, #tpu.memory_space<semaphore_mem>>) src(%arg8 : memref<80x128xf32, #tpu.memory_space<vmem>>) dst(%dma_wait3A_117 : memref<80x128xf32, #tpu.memory_space<hbm>>)
      tpu.yield
    }) : () -> ()
    %mul3A_60 = arith.constant 640 : i32
    %mul3A_61 = arith.muli %arg1, %mul3A_60 : i32
    %add3A_62 = arith.constant 160 : i32
    %add3A_63 = arith.addi %mul3A_61, %add3A_62 : i32
    "tpu.region"() ({
      %run_scoped3A = tpu.sem_alloc : memref<!tpu.dma_semaphore, #tpu.memory_space<semaphore_mem>>
      %dma_start3A = arith.constant 0 : i32
      %dma_start3A_108 = tpu.memref_slice %arg10[%add3A_63, %dma_start3A] : memref<10240x128xf32, #tpu.memory_space<vmem_shared>> -> memref<80x128xf32, #tpu.memory_space<vmem_shared>>
      %dma_start3A_109 = arith.constant 0 : i32
      %dma_start3A_110 = tpu.memref_slice %arg10[%add3A_63, %dma_start3A_109] : memref<10240x128xf32, #tpu.memory_space<vmem_shared>> -> memref<80x128xf32, #tpu.memory_space<vmem_shared>>
      tpu.enqueue_dma source(%dma_start3A_110 : memref<80x128xf32, #tpu.memory_space<vmem_shared>>) target(%arg8 : memref<80x128xf32, #tpu.memory_space<vmem>>) target_semaphore(%run_scoped3A : memref<!tpu.dma_semaphore, #tpu.memory_space<semaphore_mem>>)
      %dma_wait3A = arith.constant 0 : i32
      %dma_wait3A_111 = tpu.memref_slice %arg10[%add3A_63, %dma_wait3A] : memref<10240x128xf32, #tpu.memory_space<vmem_shared>> -> memref<80x128xf32, #tpu.memory_space<vmem_shared>>
      %dma_wait3A_112 = arith.constant 0 : i32
      %dma_wait3A_113 = tpu.memref_slice %arg10[%add3A_63, %dma_wait3A_112] : memref<10240x128xf32, #tpu.memory_space<vmem_shared>> -> memref<80x128xf32, #tpu.memory_space<vmem_shared>>
      tpu.wait_dma2 semaphore(%run_scoped3A : memref<!tpu.dma_semaphore, #tpu.memory_space<semaphore_mem>>) src(%dma_wait3A_113 : memref<80x128xf32, #tpu.memory_space<vmem_shared>>) dst(%arg8 : memref<80x128xf32, #tpu.memory_space<vmem>>)
      tpu.yield
    }) : () -> ()
    %mul3A_64 = arith.constant 640 : i32
    %mul3A_65 = arith.muli %arg1, %mul3A_64 : i32
    %add3A_66 = arith.constant 160 : i32
    %add3A_67 = arith.addi %mul3A_65, %add3A_66 : i32
    "tpu.region"() ({
      %run_scoped3A = tpu.sem_alloc : memref<!tpu.dma_semaphore, #tpu.memory_space<semaphore_mem>>
      %dma_start3A = arith.constant 0 : i32
      %dma_start3A_108 = tpu.memref_slice %arg5[%arg0, %add3A_67, %dma_start3A] : memref<2x10240x128xf32, #tpu.memory_space<hbm>> -> memref<1x80x128xf32, #tpu.memory_space<hbm>>
      %dma_start3A_109 = tpu.memref_squeeze %dma_start3A_108 : memref<1x80x128xf32, #tpu.memory_space<hbm>> -> memref<80x128xf32, #tpu.memory_space<hbm>>
      %dma_start3A_110 = arith.constant 0 : i32
      %dma_start3A_111 = tpu.memref_slice %arg5[%arg0, %add3A_67, %dma_start3A_110] : memref<2x10240x128xf32, #tpu.memory_space<hbm>> -> memref<1x80x128xf32, #tpu.memory_space<hbm>>
      %dma_start3A_112 = tpu.memref_squeeze %dma_start3A_111 : memref<1x80x128xf32, #tpu.memory_space<hbm>> -> memref<80x128xf32, #tpu.memory_space<hbm>>
      tpu.enqueue_dma source(%arg8 : memref<80x128xf32, #tpu.memory_space<vmem>>) target(%dma_start3A_112 : memref<80x128xf32, #tpu.memory_space<hbm>>) target_semaphore(%run_scoped3A : memref<!tpu.dma_semaphore, #tpu.memory_space<semaphore_mem>>)
      %dma_wait3A = arith.constant 0 : i32
      %dma_wait3A_113 = tpu.memref_slice %arg5[%arg0, %add3A_67, %dma_wait3A] : memref<2x10240x128xf32, #tpu.memory_space<hbm>> -> memref<1x80x128xf32, #tpu.memory_space<hbm>>
      %dma_wait3A_114 = tpu.memref_squeeze %dma_wait3A_113 : memref<1x80x128xf32, #tpu.memory_space<hbm>> -> memref<80x128xf32, #tpu.memory_space<hbm>>
      %dma_wait3A_115 = arith.constant 0 : i32
      %dma_wait3A_116 = tpu.memref_slice %arg5[%arg0, %add3A_67, %dma_wait3A_115] : memref<2x10240x128xf32, #tpu.memory_space<hbm>> -> memref<1x80x128xf32, #tpu.memory_space<hbm>>
      %dma_wait3A_117 = tpu.memref_squeeze %dma_wait3A_116 : memref<1x80x128xf32, #tpu.memory_space<hbm>> -> memref<80x128xf32, #tpu.memory_space<hbm>>
      tpu.wait_dma2 semaphore(%run_scoped3A : memref<!tpu.dma_semaphore, #tpu.memory_space<semaphore_mem>>) src(%arg8 : memref<80x128xf32, #tpu.memory_space<vmem>>) dst(%dma_wait3A_117 : memref<80x128xf32, #tpu.memory_space<hbm>>)
      tpu.yield
    }) : () -> ()
    %mul3A_68 = arith.constant 640 : i32
    %mul3A_69 = arith.muli %arg1, %mul3A_68 : i32
    %add3A_70 = arith.constant 240 : i32
    %add3A_71 = arith.addi %mul3A_69, %add3A_70 : i32
    "tpu.region"() ({
      %run_scoped3A = tpu.sem_alloc : memref<!tpu.dma_semaphore, #tpu.memory_space<semaphore_mem>>
      %dma_start3A = arith.constant 0 : i32
      %dma_start3A_108 = tpu.memref_slice %arg10[%add3A_71, %dma_start3A] : memref<10240x128xf32, #tpu.memory_space<vmem_shared>> -> memref<80x128xf32, #tpu.memory_space<vmem_shared>>
      %dma_start3A_109 = arith.constant 0 : i32
      %dma_start3A_110 = tpu.memref_slice %arg10[%add3A_71, %dma_start3A_109] : memref<10240x128xf32, #tpu.memory_space<vmem_shared>> -> memref<80x128xf32, #tpu.memory_space<vmem_shared>>
      tpu.enqueue_dma source(%dma_start3A_110 : memref<80x128xf32, #tpu.memory_space<vmem_shared>>) target(%arg8 : memref<80x128xf32, #tpu.memory_space<vmem>>) target_semaphore(%run_scoped3A : memref<!tpu.dma_semaphore, #tpu.memory_space<semaphore_mem>>)
      %dma_wait3A = arith.constant 0 : i32
      %dma_wait3A_111 = tpu.memref_slice %arg10[%add3A_71, %dma_wait3A] : memref<10240x128xf32, #tpu.memory_space<vmem_shared>> -> memref<80x128xf32, #tpu.memory_space<vmem_shared>>
      %dma_wait3A_112 = arith.constant 0 : i32
      %dma_wait3A_113 = tpu.memref_slice %arg10[%add3A_71, %dma_wait3A_112] : memref<10240x128xf32, #tpu.memory_space<vmem_shared>> -> memref<80x128xf32, #tpu.memory_space<vmem_shared>>
      tpu.wait_dma2 semaphore(%run_scoped3A : memref<!tpu.dma_semaphore, #tpu.memory_space<semaphore_mem>>) src(%dma_wait3A_113 : memref<80x128xf32, #tpu.memory_space<vmem_shared>>) dst(%arg8 : memref<80x128xf32, #tpu.memory_space<vmem>>)
      tpu.yield
    }) : () -> ()
    %mul3A_72 = arith.constant 640 : i32
    %mul3A_73 = arith.muli %arg1, %mul3A_72 : i32
    %add3A_74 = arith.constant 240 : i32
    %add3A_75 = arith.addi %mul3A_73, %add3A_74 : i32
    "tpu.region"() ({
      %run_scoped3A = tpu.sem_alloc : memref<!tpu.dma_semaphore, #tpu.memory_space<semaphore_mem>>
      %dma_start3A = arith.constant 0 : i32
      %dma_start3A_108 = tpu.memref_slice %arg5[%arg0, %add3A_75, %dma_start3A] : memref<2x10240x128xf32, #tpu.memory_space<hbm>> -> memref<1x80x128xf32, #tpu.memory_space<hbm>>
      %dma_start3A_109 = tpu.memref_squeeze %dma_start3A_108 : memref<1x80x128xf32, #tpu.memory_space<hbm>> -> memref<80x128xf32, #tpu.memory_space<hbm>>
      %dma_start3A_110 = arith.constant 0 : i32
      %dma_start3A_111 = tpu.memref_slice %arg5[%arg0, %add3A_75, %dma_start3A_110] : memref<2x10240x128xf32, #tpu.memory_space<hbm>> -> memref<1x80x128xf32, #tpu.memory_space<hbm>>
      %dma_start3A_112 = tpu.memref_squeeze %dma_start3A_111 : memref<1x80x128xf32, #tpu.memory_space<hbm>> -> memref<80x128xf32, #tpu.memory_space<hbm>>
      tpu.enqueue_dma source(%arg8 : memref<80x128xf32, #tpu.memory_space<vmem>>) target(%dma_start3A_112 : memref<80x128xf32, #tpu.memory_space<hbm>>) target_semaphore(%run_scoped3A : memref<!tpu.dma_semaphore, #tpu.memory_space<semaphore_mem>>)
      %dma_wait3A = arith.constant 0 : i32
      %dma_wait3A_113 = tpu.memref_slice %arg5[%arg0, %add3A_75, %dma_wait3A] : memref<2x10240x128xf32, #tpu.memory_space<hbm>> -> memref<1x80x128xf32, #tpu.memory_space<hbm>>
      %dma_wait3A_114 = tpu.memref_squeeze %dma_wait3A_113 : memref<1x80x128xf32, #tpu.memory_space<hbm>> -> memref<80x128xf32, #tpu.memory_space<hbm>>
      %dma_wait3A_115 = arith.constant 0 : i32
      %dma_wait3A_116 = tpu.memref_slice %arg5[%arg0, %add3A_75, %dma_wait3A_115] : memref<2x10240x128xf32, #tpu.memory_space<hbm>> -> memref<1x80x128xf32, #tpu.memory_space<hbm>>
      %dma_wait3A_117 = tpu.memref_squeeze %dma_wait3A_116 : memref<1x80x128xf32, #tpu.memory_space<hbm>> -> memref<80x128xf32, #tpu.memory_space<hbm>>
      tpu.wait_dma2 semaphore(%run_scoped3A : memref<!tpu.dma_semaphore, #tpu.memory_space<semaphore_mem>>) src(%arg8 : memref<80x128xf32, #tpu.memory_space<vmem>>) dst(%dma_wait3A_117 : memref<80x128xf32, #tpu.memory_space<hbm>>)
      tpu.yield
    }) : () -> ()
    %mul3A_76 = arith.constant 640 : i32
    %mul3A_77 = arith.muli %arg1, %mul3A_76 : i32
    %add3A_78 = arith.constant 320 : i32
    %add3A_79 = arith.addi %mul3A_77, %add3A_78 : i32
    "tpu.region"() ({
      %run_scoped3A = tpu.sem_alloc : memref<!tpu.dma_semaphore, #tpu.memory_space<semaphore_mem>>
      %dma_start3A = arith.constant 0 : i32
      %dma_start3A_108 = tpu.memref_slice %arg10[%add3A_79, %dma_start3A] : memref<10240x128xf32, #tpu.memory_space<vmem_shared>> -> memref<80x128xf32, #tpu.memory_space<vmem_shared>>
      %dma_start3A_109 = arith.constant 0 : i32
      %dma_start3A_110 = tpu.memref_slice %arg10[%add3A_79, %dma_start3A_109] : memref<10240x128xf32, #tpu.memory_space<vmem_shared>> -> memref<80x128xf32, #tpu.memory_space<vmem_shared>>
      tpu.enqueue_dma source(%dma_start3A_110 : memref<80x128xf32, #tpu.memory_space<vmem_shared>>) target(%arg8 : memref<80x128xf32, #tpu.memory_space<vmem>>) target_semaphore(%run_scoped3A : memref<!tpu.dma_semaphore, #tpu.memory_space<semaphore_mem>>)
      %dma_wait3A = arith.constant 0 : i32
      %dma_wait3A_111 = tpu.memref_slice %arg10[%add3A_79, %dma_wait3A] : memref<10240x128xf32, #tpu.memory_space<vmem_shared>> -> memref<80x128xf32, #tpu.memory_space<vmem_shared>>
      %dma_wait3A_112 = arith.constant 0 : i32
      %dma_wait3A_113 = tpu.memref_slice %arg10[%add3A_79, %dma_wait3A_112] : memref<10240x128xf32, #tpu.memory_space<vmem_shared>> -> memref<80x128xf32, #tpu.memory_space<vmem_shared>>
      tpu.wait_dma2 semaphore(%run_scoped3A : memref<!tpu.dma_semaphore, #tpu.memory_space<semaphore_mem>>) src(%dma_wait3A_113 : memref<80x128xf32, #tpu.memory_space<vmem_shared>>) dst(%arg8 : memref<80x128xf32, #tpu.memory_space<vmem>>)
      tpu.yield
    }) : () -> ()
    %mul3A_80 = arith.constant 640 : i32
    %mul3A_81 = arith.muli %arg1, %mul3A_80 : i32
    %add3A_82 = arith.constant 320 : i32
    %add3A_83 = arith.addi %mul3A_81, %add3A_82 : i32
    "tpu.region"() ({
      %run_scoped3A = tpu.sem_alloc : memref<!tpu.dma_semaphore, #tpu.memory_space<semaphore_mem>>
      %dma_start3A = arith.constant 0 : i32
      %dma_start3A_108 = tpu.memref_slice %arg5[%arg0, %add3A_83, %dma_start3A] : memref<2x10240x128xf32, #tpu.memory_space<hbm>> -> memref<1x80x128xf32, #tpu.memory_space<hbm>>
      %dma_start3A_109 = tpu.memref_squeeze %dma_start3A_108 : memref<1x80x128xf32, #tpu.memory_space<hbm>> -> memref<80x128xf32, #tpu.memory_space<hbm>>
      %dma_start3A_110 = arith.constant 0 : i32
      %dma_start3A_111 = tpu.memref_slice %arg5[%arg0, %add3A_83, %dma_start3A_110] : memref<2x10240x128xf32, #tpu.memory_space<hbm>> -> memref<1x80x128xf32, #tpu.memory_space<hbm>>
      %dma_start3A_112 = tpu.memref_squeeze %dma_start3A_111 : memref<1x80x128xf32, #tpu.memory_space<hbm>> -> memref<80x128xf32, #tpu.memory_space<hbm>>
      tpu.enqueue_dma source(%arg8 : memref<80x128xf32, #tpu.memory_space<vmem>>) target(%dma_start3A_112 : memref<80x128xf32, #tpu.memory_space<hbm>>) target_semaphore(%run_scoped3A : memref<!tpu.dma_semaphore, #tpu.memory_space<semaphore_mem>>)
      %dma_wait3A = arith.constant 0 : i32
      %dma_wait3A_113 = tpu.memref_slice %arg5[%arg0, %add3A_83, %dma_wait3A] : memref<2x10240x128xf32, #tpu.memory_space<hbm>> -> memref<1x80x128xf32, #tpu.memory_space<hbm>>
      %dma_wait3A_114 = tpu.memref_squeeze %dma_wait3A_113 : memref<1x80x128xf32, #tpu.memory_space<hbm>> -> memref<80x128xf32, #tpu.memory_space<hbm>>
      %dma_wait3A_115 = arith.constant 0 : i32
      %dma_wait3A_116 = tpu.memref_slice %arg5[%arg0, %add3A_83, %dma_wait3A_115] : memref<2x10240x128xf32, #tpu.memory_space<hbm>> -> memref<1x80x128xf32, #tpu.memory_space<hbm>>
      %dma_wait3A_117 = tpu.memref_squeeze %dma_wait3A_116 : memref<1x80x128xf32, #tpu.memory_space<hbm>> -> memref<80x128xf32, #tpu.memory_space<hbm>>
      tpu.wait_dma2 semaphore(%run_scoped3A : memref<!tpu.dma_semaphore, #tpu.memory_space<semaphore_mem>>) src(%arg8 : memref<80x128xf32, #tpu.memory_space<vmem>>) dst(%dma_wait3A_117 : memref<80x128xf32, #tpu.memory_space<hbm>>)
      tpu.yield
    }) : () -> ()
    %mul3A_84 = arith.constant 640 : i32
    %mul3A_85 = arith.muli %arg1, %mul3A_84 : i32
    %add3A_86 = arith.constant 400 : i32
    %add3A_87 = arith.addi %mul3A_85, %add3A_86 : i32
    "tpu.region"() ({
      %run_scoped3A = tpu.sem_alloc : memref<!tpu.dma_semaphore, #tpu.memory_space<semaphore_mem>>
      %dma_start3A = arith.constant 0 : i32
      %dma_start3A_108 = tpu.memref_slice %arg10[%add3A_87, %dma_start3A] : memref<10240x128xf32, #tpu.memory_space<vmem_shared>> -> memref<80x128xf32, #tpu.memory_space<vmem_shared>>
      %dma_start3A_109 = arith.constant 0 : i32
      %dma_start3A_110 = tpu.memref_slice %arg10[%add3A_87, %dma_start3A_109] : memref<10240x128xf32, #tpu.memory_space<vmem_shared>> -> memref<80x128xf32, #tpu.memory_space<vmem_shared>>
      tpu.enqueue_dma source(%dma_start3A_110 : memref<80x128xf32, #tpu.memory_space<vmem_shared>>) target(%arg8 : memref<80x128xf32, #tpu.memory_space<vmem>>) target_semaphore(%run_scoped3A : memref<!tpu.dma_semaphore, #tpu.memory_space<semaphore_mem>>)
      %dma_wait3A = arith.constant 0 : i32
      %dma_wait3A_111 = tpu.memref_slice %arg10[%add3A_87, %dma_wait3A] : memref<10240x128xf32, #tpu.memory_space<vmem_shared>> -> memref<80x128xf32, #tpu.memory_space<vmem_shared>>
      %dma_wait3A_112 = arith.constant 0 : i32
      %dma_wait3A_113 = tpu.memref_slice %arg10[%add3A_87, %dma_wait3A_112] : memref<10240x128xf32, #tpu.memory_space<vmem_shared>> -> memref<80x128xf32, #tpu.memory_space<vmem_shared>>
      tpu.wait_dma2 semaphore(%run_scoped3A : memref<!tpu.dma_semaphore, #tpu.memory_space<semaphore_mem>>) src(%dma_wait3A_113 : memref<80x128xf32, #tpu.memory_space<vmem_shared>>) dst(%arg8 : memref<80x128xf32, #tpu.memory_space<vmem>>)
      tpu.yield
    }) : () -> ()
    %mul3A_88 = arith.constant 640 : i32
    %mul3A_89 = arith.muli %arg1, %mul3A_88 : i32
    %add3A_90 = arith.constant 400 : i32
    %add3A_91 = arith.addi %mul3A_89, %add3A_90 : i32
    "tpu.region"() ({
      %run_scoped3A = tpu.sem_alloc : memref<!tpu.dma_semaphore, #tpu.memory_space<semaphore_mem>>
      %dma_start3A = arith.constant 0 : i32
      %dma_start3A_108 = tpu.memref_slice %arg5[%arg0, %add3A_91, %dma_start3A] : memref<2x10240x128xf32, #tpu.memory_space<hbm>> -> memref<1x80x128xf32, #tpu.memory_space<hbm>>
      %dma_start3A_109 = tpu.memref_squeeze %dma_start3A_108 : memref<1x80x128xf32, #tpu.memory_space<hbm>> -> memref<80x128xf32, #tpu.memory_space<hbm>>
      %dma_start3A_110 = arith.constant 0 : i32
      %dma_start3A_111 = tpu.memref_slice %arg5[%arg0, %add3A_91, %dma_start3A_110] : memref<2x10240x128xf32, #tpu.memory_space<hbm>> -> memref<1x80x128xf32, #tpu.memory_space<hbm>>
      %dma_start3A_112 = tpu.memref_squeeze %dma_start3A_111 : memref<1x80x128xf32, #tpu.memory_space<hbm>> -> memref<80x128xf32, #tpu.memory_space<hbm>>
      tpu.enqueue_dma source(%arg8 : memref<80x128xf32, #tpu.memory_space<vmem>>) target(%dma_start3A_112 : memref<80x128xf32, #tpu.memory_space<hbm>>) target_semaphore(%run_scoped3A : memref<!tpu.dma_semaphore, #tpu.memory_space<semaphore_mem>>)
      %dma_wait3A = arith.constant 0 : i32
      %dma_wait3A_113 = tpu.memref_slice %arg5[%arg0, %add3A_91, %dma_wait3A] : memref<2x10240x128xf32, #tpu.memory_space<hbm>> -> memref<1x80x128xf32, #tpu.memory_space<hbm>>
      %dma_wait3A_114 = tpu.memref_squeeze %dma_wait3A_113 : memref<1x80x128xf32, #tpu.memory_space<hbm>> -> memref<80x128xf32, #tpu.memory_space<hbm>>
      %dma_wait3A_115 = arith.constant 0 : i32
      %dma_wait3A_116 = tpu.memref_slice %arg5[%arg0, %add3A_91, %dma_wait3A_115] : memref<2x10240x128xf32, #tpu.memory_space<hbm>> -> memref<1x80x128xf32, #tpu.memory_space<hbm>>
      %dma_wait3A_117 = tpu.memref_squeeze %dma_wait3A_116 : memref<1x80x128xf32, #tpu.memory_space<hbm>> -> memref<80x128xf32, #tpu.memory_space<hbm>>
      tpu.wait_dma2 semaphore(%run_scoped3A : memref<!tpu.dma_semaphore, #tpu.memory_space<semaphore_mem>>) src(%arg8 : memref<80x128xf32, #tpu.memory_space<vmem>>) dst(%dma_wait3A_117 : memref<80x128xf32, #tpu.memory_space<hbm>>)
      tpu.yield
    }) : () -> ()
    %mul3A_92 = arith.constant 640 : i32
    %mul3A_93 = arith.muli %arg1, %mul3A_92 : i32
    %add3A_94 = arith.constant 480 : i32
    %add3A_95 = arith.addi %mul3A_93, %add3A_94 : i32
    "tpu.region"() ({
      %run_scoped3A = tpu.sem_alloc : memref<!tpu.dma_semaphore, #tpu.memory_space<semaphore_mem>>
      %dma_start3A = arith.constant 0 : i32
      %dma_start3A_108 = tpu.memref_slice %arg10[%add3A_95, %dma_start3A] : memref<10240x128xf32, #tpu.memory_space<vmem_shared>> -> memref<80x128xf32, #tpu.memory_space<vmem_shared>>
      %dma_start3A_109 = arith.constant 0 : i32
      %dma_start3A_110 = tpu.memref_slice %arg10[%add3A_95, %dma_start3A_109] : memref<10240x128xf32, #tpu.memory_space<vmem_shared>> -> memref<80x128xf32, #tpu.memory_space<vmem_shared>>
      tpu.enqueue_dma source(%dma_start3A_110 : memref<80x128xf32, #tpu.memory_space<vmem_shared>>) target(%arg8 : memref<80x128xf32, #tpu.memory_space<vmem>>) target_semaphore(%run_scoped3A : memref<!tpu.dma_semaphore, #tpu.memory_space<semaphore_mem>>)
      %dma_wait3A = arith.constant 0 : i32
      %dma_wait3A_111 = tpu.memref_slice %arg10[%add3A_95, %dma_wait3A] : memref<10240x128xf32, #tpu.memory_space<vmem_shared>> -> memref<80x128xf32, #tpu.memory_space<vmem_shared>>
      %dma_wait3A_112 = arith.constant 0 : i32
      %dma_wait3A_113 = tpu.memref_slice %arg10[%add3A_95, %dma_wait3A_112] : memref<10240x128xf32, #tpu.memory_space<vmem_shared>> -> memref<80x128xf32, #tpu.memory_space<vmem_shared>>
      tpu.wait_dma2 semaphore(%run_scoped3A : memref<!tpu.dma_semaphore, #tpu.memory_space<semaphore_mem>>) src(%dma_wait3A_113 : memref<80x128xf32, #tpu.memory_space<vmem_shared>>) dst(%arg8 : memref<80x128xf32, #tpu.memory_space<vmem>>)
      tpu.yield
    }) : () -> ()
    %mul3A_96 = arith.constant 640 : i32
    %mul3A_97 = arith.muli %arg1, %mul3A_96 : i32
    %add3A_98 = arith.constant 480 : i32
    %add3A_99 = arith.addi %mul3A_97, %add3A_98 : i32
    "tpu.region"() ({
      %run_scoped3A = tpu.sem_alloc : memref<!tpu.dma_semaphore, #tpu.memory_space<semaphore_mem>>
      %dma_start3A = arith.constant 0 : i32
      %dma_start3A_108 = tpu.memref_slice %arg5[%arg0, %add3A_99, %dma_start3A] : memref<2x10240x128xf32, #tpu.memory_space<hbm>> -> memref<1x80x128xf32, #tpu.memory_space<hbm>>
      %dma_start3A_109 = tpu.memref_squeeze %dma_start3A_108 : memref<1x80x128xf32, #tpu.memory_space<hbm>> -> memref<80x128xf32, #tpu.memory_space<hbm>>
      %dma_start3A_110 = arith.constant 0 : i32
      %dma_start3A_111 = tpu.memref_slice %arg5[%arg0, %add3A_99, %dma_start3A_110] : memref<2x10240x128xf32, #tpu.memory_space<hbm>> -> memref<1x80x128xf32, #tpu.memory_space<hbm>>
      %dma_start3A_112 = tpu.memref_squeeze %dma_start3A_111 : memref<1x80x128xf32, #tpu.memory_space<hbm>> -> memref<80x128xf32, #tpu.memory_space<hbm>>
      tpu.enqueue_dma source(%arg8 : memref<80x128xf32, #tpu.memory_space<vmem>>) target(%dma_start3A_112 : memref<80x128xf32, #tpu.memory_space<hbm>>) target_semaphore(%run_scoped3A : memref<!tpu.dma_semaphore, #tpu.memory_space<semaphore_mem>>)
      %dma_wait3A = arith.constant 0 : i32
      %dma_wait3A_113 = tpu.memref_slice %arg5[%arg0, %add3A_99, %dma_wait3A] : memref<2x10240x128xf32, #tpu.memory_space<hbm>> -> memref<1x80x128xf32, #tpu.memory_space<hbm>>
      %dma_wait3A_114 = tpu.memref_squeeze %dma_wait3A_113 : memref<1x80x128xf32, #tpu.memory_space<hbm>> -> memref<80x128xf32, #tpu.memory_space<hbm>>
      %dma_wait3A_115 = arith.constant 0 : i32
      %dma_wait3A_116 = tpu.memref_slice %arg5[%arg0, %add3A_99, %dma_wait3A_115] : memref<2x10240x128xf32, #tpu.memory_space<hbm>> -> memref<1x80x128xf32, #tpu.memory_space<hbm>>
      %dma_wait3A_117 = tpu.memref_squeeze %dma_wait3A_116 : memref<1x80x128xf32, #tpu.memory_space<hbm>> -> memref<80x128xf32, #tpu.memory_space<hbm>>
      tpu.wait_dma2 semaphore(%run_scoped3A : memref<!tpu.dma_semaphore, #tpu.memory_space<semaphore_mem>>) src(%arg8 : memref<80x128xf32, #tpu.memory_space<vmem>>) dst(%dma_wait3A_117 : memref<80x128xf32, #tpu.memory_space<hbm>>)
      tpu.yield
    }) : () -> ()
    %mul3A_100 = arith.constant 640 : i32
    %mul3A_101 = arith.muli %arg1, %mul3A_100 : i32
    %add3A_102 = arith.constant 560 : i32
    %add3A_103 = arith.addi %mul3A_101, %add3A_102 : i32
    "tpu.region"() ({
      %run_scoped3A = tpu.sem_alloc : memref<!tpu.dma_semaphore, #tpu.memory_space<semaphore_mem>>
      %dma_start3A = arith.constant 0 : i32
      %dma_start3A_108 = tpu.memref_slice %arg10[%add3A_103, %dma_start3A] : memref<10240x128xf32, #tpu.memory_space<vmem_shared>> -> memref<80x128xf32, #tpu.memory_space<vmem_shared>>
      %dma_start3A_109 = arith.constant 0 : i32
      %dma_start3A_110 = tpu.memref_slice %arg10[%add3A_103, %dma_start3A_109] : memref<10240x128xf32, #tpu.memory_space<vmem_shared>> -> memref<80x128xf32, #tpu.memory_space<vmem_shared>>
      tpu.enqueue_dma source(%dma_start3A_110 : memref<80x128xf32, #tpu.memory_space<vmem_shared>>) target(%arg8 : memref<80x128xf32, #tpu.memory_space<vmem>>) target_semaphore(%run_scoped3A : memref<!tpu.dma_semaphore, #tpu.memory_space<semaphore_mem>>)
      %dma_wait3A = arith.constant 0 : i32
      %dma_wait3A_111 = tpu.memref_slice %arg10[%add3A_103, %dma_wait3A] : memref<10240x128xf32, #tpu.memory_space<vmem_shared>> -> memref<80x128xf32, #tpu.memory_space<vmem_shared>>
      %dma_wait3A_112 = arith.constant 0 : i32
      %dma_wait3A_113 = tpu.memref_slice %arg10[%add3A_103, %dma_wait3A_112] : memref<10240x128xf32, #tpu.memory_space<vmem_shared>> -> memref<80x128xf32, #tpu.memory_space<vmem_shared>>
      tpu.wait_dma2 semaphore(%run_scoped3A : memref<!tpu.dma_semaphore, #tpu.memory_space<semaphore_mem>>) src(%dma_wait3A_113 : memref<80x128xf32, #tpu.memory_space<vmem_shared>>) dst(%arg8 : memref<80x128xf32, #tpu.memory_space<vmem>>)
      tpu.yield
    }) : () -> ()
    %mul3A_104 = arith.constant 640 : i32
    %mul3A_105 = arith.muli %arg1, %mul3A_104 : i32
    %add3A_106 = arith.constant 560 : i32
    %add3A_107 = arith.addi %mul3A_105, %add3A_106 : i32
    "tpu.region"() ({
      %run_scoped3A = tpu.sem_alloc : memref<!tpu.dma_semaphore, #tpu.memory_space<semaphore_mem>>
      %dma_start3A = arith.constant 0 : i32
      %dma_start3A_108 = tpu.memref_slice %arg5[%arg0, %add3A_107, %dma_start3A] : memref<2x10240x128xf32, #tpu.memory_space<hbm>> -> memref<1x80x128xf32, #tpu.memory_space<hbm>>
      %dma_start3A_109 = tpu.memref_squeeze %dma_start3A_108 : memref<1x80x128xf32, #tpu.memory_space<hbm>> -> memref<80x128xf32, #tpu.memory_space<hbm>>
      %dma_start3A_110 = arith.constant 0 : i32
      %dma_start3A_111 = tpu.memref_slice %arg5[%arg0, %add3A_107, %dma_start3A_110] : memref<2x10240x128xf32, #tpu.memory_space<hbm>> -> memref<1x80x128xf32, #tpu.memory_space<hbm>>
      %dma_start3A_112 = tpu.memref_squeeze %dma_start3A_111 : memref<1x80x128xf32, #tpu.memory_space<hbm>> -> memref<80x128xf32, #tpu.memory_space<hbm>>
      tpu.enqueue_dma source(%arg8 : memref<80x128xf32, #tpu.memory_space<vmem>>) target(%dma_start3A_112 : memref<80x128xf32, #tpu.memory_space<hbm>>) target_semaphore(%run_scoped3A : memref<!tpu.dma_semaphore, #tpu.memory_space<semaphore_mem>>)
      %dma_wait3A = arith.constant 0 : i32
      %dma_wait3A_113 = tpu.memref_slice %arg5[%arg0, %add3A_107, %dma_wait3A] : memref<2x10240x128xf32, #tpu.memory_space<hbm>> -> memref<1x80x128xf32, #tpu.memory_space<hbm>>
      %dma_wait3A_114 = tpu.memref_squeeze %dma_wait3A_113 : memref<1x80x128xf32, #tpu.memory_space<hbm>> -> memref<80x128xf32, #tpu.memory_space<hbm>>
      %dma_wait3A_115 = arith.constant 0 : i32
      %dma_wait3A_116 = tpu.memref_slice %arg5[%arg0, %add3A_107, %dma_wait3A_115] : memref<2x10240x128xf32, #tpu.memory_space<hbm>> -> memref<1x80x128xf32, #tpu.memory_space<hbm>>
      %dma_wait3A_117 = tpu.memref_squeeze %dma_wait3A_116 : memref<1x80x128xf32, #tpu.memory_space<hbm>> -> memref<80x128xf32, #tpu.memory_space<hbm>>
      tpu.wait_dma2 semaphore(%run_scoped3A : memref<!tpu.dma_semaphore, #tpu.memory_space<semaphore_mem>>) src(%arg8 : memref<80x128xf32, #tpu.memory_space<vmem>>) dst(%dma_wait3A_117 : memref<80x128xf32, #tpu.memory_space<hbm>>)
      tpu.yield
    }) : () -> ()
    return
  }
}

#map = affine_map<(d0, d1) -> (0, 0, 0)>
module attributes {stable_mosaic.version = 14 : i64} {
  func.func @_hist_body(%arg0: i32, %arg1: i32, %arg2: memref<32x80x128xi32, #tpu.memory_space<hbm>>, %arg3: memref<2x10240x128xf32, #tpu.memory_space<hbm>>, %arg4: memref<80x128xi32, #tpu.memory_space<vmem>>, %arg5: memref<128x128xf32, #tpu.memory_space<vmem>>, %arg6: memref<10240x128xf32, #tpu.memory_space<vmem_shared>>) attributes {dimension_semantics = [#tpu.dimension_semantics<core_parallel>, #tpu.dimension_semantics<subcore_parallel>], iteration_bounds = array<i64: 2, 16>, scalar_prefetch = 0 : i64, scratch_operands = 3 : i64, tpu.core_type = #tpu.core_type<sc_vector_subcore>, window_params = [{transform_indices = #map}, {transform_indices = #map}]} {
    %mul3A = arith.constant 2 : i32
    %mul3A_0 = arith.muli %arg1, %mul3A : i32
    %add3A = arith.addi %mul3A_0, %arg0 : i32
    %broadcast_in_dim3A = arith.constant 0.000000e+00 : f32
    %broadcast_in_dim3A_1 = vector.broadcast %broadcast_in_dim3A : f32 to vector<16xf32>
    %broadcast_in_dim3A_2 = arith.constant 1.000000e+00 : f32
    %broadcast_in_dim3A_3 = vector.broadcast %broadcast_in_dim3A_2 : f32 to vector<16xf32>
    %scan3A = arith.constant 0 : i32
    %scan3A_4 = arith.constant 1024 : i32
    %scan3A_5 = arith.addi %scan3A, %scan3A_4 : i32
    %scan3A_6 = arith.constant 1 : i32
    scf.for %scan3A_79 = %scan3A to %scan3A_5 step %scan3A_6  : i32 {
      %mul3A_80 = arith.constant 1 : i32
      %mul3A_81 = arith.muli %scan3A_79, %mul3A_80 : i32
      %add3A_82 = arith.constant 0 : i32
      %add3A_83 = arith.addi %add3A_82, %mul3A_81 : i32
      %shift_right_arithmetic3A = arith.constant 3 : i32
      %shift_right_arithmetic3A_84 = arith.shrsi %add3A_83, %shift_right_arithmetic3A : i32
      %and3A = arith.constant 7 : i32
      %and3A_85 = arith.andi %add3A_83, %and3A : i32
      %mul3A_86 = arith.constant 16 : i32
      %mul3A_87 = arith.muli %and3A_85, %mul3A_86 : i32
      %swap3A = arith.index_cast %shift_right_arithmetic3A_84 : i32 to index
      %swap3A_88 = arith.index_cast %mul3A_87 : i32 to index
      %swap3A_89 = tpu.vector_load %arg5[%swap3A, %swap3A_88] {strides = array<i32>} : memref<128x128xf32, #tpu.memory_space<vmem>>, vector<1x16xf32>,
      %swap3A_90 = vector.shape_cast %swap3A_89 : vector<1x16xf32> to vector<16xf32>
      %swap3A_91 = vector.shape_cast %broadcast_in_dim3A_1 : vector<16xf32> to vector<1x16xf32>
      tpu.vector_store %arg5[%swap3A, %swap3A_88], %swap3A_91 {strides = array<i32>} : memref<128x128xf32, #tpu.memory_space<vmem>>, vector<1x16xf32>,
    }
    %scan3A_7 = arith.constant 1024 : i32
    %mul3A_8 = arith.constant 640 : i32
    %mul3A_9 = arith.muli %arg1, %mul3A_8 : i32
    %add3A_10 = arith.constant 0 : i32
    %add3A_11 = arith.addi %mul3A_9, %add3A_10 : i32
    "tpu.region"() ({
      %run_scoped3A = tpu.sem_alloc : memref<!tpu.dma_semaphore, #tpu.memory_space<semaphore_mem>>
      %dma_start3A = arith.constant 0 : i32
      %dma_start3A_79 = tpu.memref_slice %arg6[%add3A_11, %dma_start3A] : memref<10240x128xf32, #tpu.memory_space<vmem_shared>> -> memref<128x128xf32, #tpu.memory_space<vmem_shared>>
      %dma_start3A_80 = arith.constant 0 : i32
      %dma_start3A_81 = tpu.memref_slice %arg6[%add3A_11, %dma_start3A_80] : memref<10240x128xf32, #tpu.memory_space<vmem_shared>> -> memref<128x128xf32, #tpu.memory_space<vmem_shared>>
      tpu.enqueue_dma source(%arg5 : memref<128x128xf32, #tpu.memory_space<vmem>>) target(%dma_start3A_81 : memref<128x128xf32, #tpu.memory_space<vmem_shared>>) target_semaphore(%run_scoped3A : memref<!tpu.dma_semaphore, #tpu.memory_space<semaphore_mem>>)
      %dma_wait3A = arith.constant 0 : i32
      %dma_wait3A_82 = tpu.memref_slice %arg6[%add3A_11, %dma_wait3A] : memref<10240x128xf32, #tpu.memory_space<vmem_shared>> -> memref<128x128xf32, #tpu.memory_space<vmem_shared>>
      %dma_wait3A_83 = arith.constant 0 : i32
      %dma_wait3A_84 = tpu.memref_slice %arg6[%add3A_11, %dma_wait3A_83] : memref<10240x128xf32, #tpu.memory_space<vmem_shared>> -> memref<128x128xf32, #tpu.memory_space<vmem_shared>>
      tpu.wait_dma2 semaphore(%run_scoped3A : memref<!tpu.dma_semaphore, #tpu.memory_space<semaphore_mem>>) src(%arg5 : memref<128x128xf32, #tpu.memory_space<vmem>>) dst(%dma_wait3A_84 : memref<128x128xf32, #tpu.memory_space<vmem_shared>>)
      tpu.yield
    }) : () -> ()
    %mul3A_12 = arith.constant 640 : i32
    %mul3A_13 = arith.muli %arg1, %mul3A_12 : i32
    %add3A_14 = arith.constant 128 : i32
    %add3A_15 = arith.addi %mul3A_13, %add3A_14 : i32
    "tpu.region"() ({
      %run_scoped3A = tpu.sem_alloc : memref<!tpu.dma_semaphore, #tpu.memory_space<semaphore_mem>>
      %dma_start3A = arith.constant 0 : i32
      %dma_start3A_79 = tpu.memref_slice %arg6[%add3A_15, %dma_start3A] : memref<10240x128xf32, #tpu.memory_space<vmem_shared>> -> memref<128x128xf32, #tpu.memory_space<vmem_shared>>
      %dma_start3A_80 = arith.constant 0 : i32
      %dma_start3A_81 = tpu.memref_slice %arg6[%add3A_15, %dma_start3A_80] : memref<10240x128xf32, #tpu.memory_space<vmem_shared>> -> memref<128x128xf32, #tpu.memory_space<vmem_shared>>
      tpu.enqueue_dma source(%arg5 : memref<128x128xf32, #tpu.memory_space<vmem>>) target(%dma_start3A_81 : memref<128x128xf32, #tpu.memory_space<vmem_shared>>) target_semaphore(%run_scoped3A : memref<!tpu.dma_semaphore, #tpu.memory_space<semaphore_mem>>)
      %dma_wait3A = arith.constant 0 : i32
      %dma_wait3A_82 = tpu.memref_slice %arg6[%add3A_15, %dma_wait3A] : memref<10240x128xf32, #tpu.memory_space<vmem_shared>> -> memref<128x128xf32, #tpu.memory_space<vmem_shared>>
      %dma_wait3A_83 = arith.constant 0 : i32
      %dma_wait3A_84 = tpu.memref_slice %arg6[%add3A_15, %dma_wait3A_83] : memref<10240x128xf32, #tpu.memory_space<vmem_shared>> -> memref<128x128xf32, #tpu.memory_space<vmem_shared>>
      tpu.wait_dma2 semaphore(%run_scoped3A : memref<!tpu.dma_semaphore, #tpu.memory_space<semaphore_mem>>) src(%arg5 : memref<128x128xf32, #tpu.memory_space<vmem>>) dst(%dma_wait3A_84 : memref<128x128xf32, #tpu.memory_space<vmem_shared>>)
      tpu.yield
    }) : () -> ()
    %mul3A_16 = arith.constant 640 : i32
    %mul3A_17 = arith.muli %arg1, %mul3A_16 : i32
    %add3A_18 = arith.constant 256 : i32
    %add3A_19 = arith.addi %mul3A_17, %add3A_18 : i32
    "tpu.region"() ({
      %run_scoped3A = tpu.sem_alloc : memref<!tpu.dma_semaphore, #tpu.memory_space<semaphore_mem>>
      %dma_start3A = arith.constant 0 : i32
      %dma_start3A_79 = tpu.memref_slice %arg6[%add3A_19, %dma_start3A] : memref<10240x128xf32, #tpu.memory_space<vmem_shared>> -> memref<128x128xf32, #tpu.memory_space<vmem_shared>>
      %dma_start3A_80 = arith.constant 0 : i32
      %dma_start3A_81 = tpu.memref_slice %arg6[%add3A_19, %dma_start3A_80] : memref<10240x128xf32, #tpu.memory_space<vmem_shared>> -> memref<128x128xf32, #tpu.memory_space<vmem_shared>>
      tpu.enqueue_dma source(%arg5 : memref<128x128xf32, #tpu.memory_space<vmem>>) target(%dma_start3A_81 : memref<128x128xf32, #tpu.memory_space<vmem_shared>>) target_semaphore(%run_scoped3A : memref<!tpu.dma_semaphore, #tpu.memory_space<semaphore_mem>>)
      %dma_wait3A = arith.constant 0 : i32
      %dma_wait3A_82 = tpu.memref_slice %arg6[%add3A_19, %dma_wait3A] : memref<10240x128xf32, #tpu.memory_space<vmem_shared>> -> memref<128x128xf32, #tpu.memory_space<vmem_shared>>
      %dma_wait3A_83 = arith.constant 0 : i32
      %dma_wait3A_84 = tpu.memref_slice %arg6[%add3A_19, %dma_wait3A_83] : memref<10240x128xf32, #tpu.memory_space<vmem_shared>> -> memref<128x128xf32, #tpu.memory_space<vmem_shared>>
      tpu.wait_dma2 semaphore(%run_scoped3A : memref<!tpu.dma_semaphore, #tpu.memory_space<semaphore_mem>>) src(%arg5 : memref<128x128xf32, #tpu.memory_space<vmem>>) dst(%dma_wait3A_84 : memref<128x128xf32, #tpu.memory_space<vmem_shared>>)
      tpu.yield
    }) : () -> ()
    %mul3A_20 = arith.constant 640 : i32
    %mul3A_21 = arith.muli %arg1, %mul3A_20 : i32
    %add3A_22 = arith.constant 384 : i32
    %add3A_23 = arith.addi %mul3A_21, %add3A_22 : i32
    "tpu.region"() ({
      %run_scoped3A = tpu.sem_alloc : memref<!tpu.dma_semaphore, #tpu.memory_space<semaphore_mem>>
      %dma_start3A = arith.constant 0 : i32
      %dma_start3A_79 = tpu.memref_slice %arg6[%add3A_23, %dma_start3A] : memref<10240x128xf32, #tpu.memory_space<vmem_shared>> -> memref<128x128xf32, #tpu.memory_space<vmem_shared>>
      %dma_start3A_80 = arith.constant 0 : i32
      %dma_start3A_81 = tpu.memref_slice %arg6[%add3A_23, %dma_start3A_80] : memref<10240x128xf32, #tpu.memory_space<vmem_shared>> -> memref<128x128xf32, #tpu.memory_space<vmem_shared>>
      tpu.enqueue_dma source(%arg5 : memref<128x128xf32, #tpu.memory_space<vmem>>) target(%dma_start3A_81 : memref<128x128xf32, #tpu.memory_space<vmem_shared>>) target_semaphore(%run_scoped3A : memref<!tpu.dma_semaphore, #tpu.memory_space<semaphore_mem>>)
      %dma_wait3A = arith.constant 0 : i32
      %dma_wait3A_82 = tpu.memref_slice %arg6[%add3A_23, %dma_wait3A] : memref<10240x128xf32, #tpu.memory_space<vmem_shared>> -> memref<128x128xf32, #tpu.memory_space<vmem_shared>>
      %dma_wait3A_83 = arith.constant 0 : i32
      %dma_wait3A_84 = tpu.memref_slice %arg6[%add3A_23, %dma_wait3A_83] : memref<10240x128xf32, #tpu.memory_space<vmem_shared>> -> memref<128x128xf32, #tpu.memory_space<vmem_shared>>
      tpu.wait_dma2 semaphore(%run_scoped3A : memref<!tpu.dma_semaphore, #tpu.memory_space<semaphore_mem>>) src(%arg5 : memref<128x128xf32, #tpu.memory_space<vmem>>) dst(%dma_wait3A_84 : memref<128x128xf32, #tpu.memory_space<vmem_shared>>)
      tpu.yield
    }) : () -> ()
    %mul3A_24 = arith.constant 640 : i32
    %mul3A_25 = arith.muli %arg1, %mul3A_24 : i32
    %add3A_26 = arith.constant 512 : i32
    %add3A_27 = arith.addi %mul3A_25, %add3A_26 : i32
    "tpu.region"() ({
      %run_scoped3A = tpu.sem_alloc : memref<!tpu.dma_semaphore, #tpu.memory_space<semaphore_mem>>
      %dma_start3A = arith.constant 0 : i32
      %dma_start3A_79 = tpu.memref_slice %arg6[%add3A_27, %dma_start3A] : memref<10240x128xf32, #tpu.memory_space<vmem_shared>> -> memref<128x128xf32, #tpu.memory_space<vmem_shared>>
      %dma_start3A_80 = arith.constant 0 : i32
      %dma_start3A_81 = tpu.memref_slice %arg6[%add3A_27, %dma_start3A_80] : memref<10240x128xf32, #tpu.memory_space<vmem_shared>> -> memref<128x128xf32, #tpu.memory_space<vmem_shared>>
      tpu.enqueue_dma source(%arg5 : memref<128x128xf32, #tpu.memory_space<vmem>>) target(%dma_start3A_81 : memref<128x128xf32, #tpu.memory_space<vmem_shared>>) target_semaphore(%run_scoped3A : memref<!tpu.dma_semaphore, #tpu.memory_space<semaphore_mem>>)
      %dma_wait3A = arith.constant 0 : i32
      %dma_wait3A_82 = tpu.memref_slice %arg6[%add3A_27, %dma_wait3A] : memref<10240x128xf32, #tpu.memory_space<vmem_shared>> -> memref<128x128xf32, #tpu.memory_space<vmem_shared>>
      %dma_wait3A_83 = arith.constant 0 : i32
      %dma_wait3A_84 = tpu.memref_slice %arg6[%add3A_27, %dma_wait3A_83] : memref<10240x128xf32, #tpu.memory_space<vmem_shared>> -> memref<128x128xf32, #tpu.memory_space<vmem_shared>>
      tpu.wait_dma2 semaphore(%run_scoped3A : memref<!tpu.dma_semaphore, #tpu.memory_space<semaphore_mem>>) src(%arg5 : memref<128x128xf32, #tpu.memory_space<vmem>>) dst(%dma_wait3A_84 : memref<128x128xf32, #tpu.memory_space<vmem_shared>>)
      tpu.yield
    }) : () -> ()
    %scan3A_28 = arith.constant 0 : i32
    %scan3A_29 = arith.constant 1024 : i32
    %scan3A_30 = arith.addi %scan3A_28, %scan3A_29 : i32
    %scan3A_31 = arith.constant 1 : i32
    scf.for %scan3A_79 = %scan3A_28 to %scan3A_30 step %scan3A_31  : i32 {
      %mul3A_80 = arith.constant 1 : i32
      %mul3A_81 = arith.muli %scan3A_79, %mul3A_80 : i32
      %add3A_82 = arith.constant 0 : i32
      %add3A_83 = arith.addi %add3A_82, %mul3A_81 : i32
      %shift_right_arithmetic3A = arith.constant 3 : i32
      %shift_right_arithmetic3A_84 = arith.shrsi %add3A_83, %shift_right_arithmetic3A : i32
      %and3A = arith.constant 7 : i32
      %and3A_85 = arith.andi %add3A_83, %and3A : i32
      %mul3A_86 = arith.constant 16 : i32
      %mul3A_87 = arith.muli %and3A_85, %mul3A_86 : i32
      %swap3A = arith.index_cast %shift_right_arithmetic3A_84 : i32 to index
      %swap3A_88 = arith.index_cast %mul3A_87 : i32 to index
      %swap3A_89 = tpu.vector_load %arg5[%swap3A, %swap3A_88] {strides = array<i32>} : memref<128x128xf32, #tpu.memory_space<vmem>>, vector<1x16xf32>,
      %swap3A_90 = vector.shape_cast %swap3A_89 : vector<1x16xf32> to vector<16xf32>
      %swap3A_91 = vector.shape_cast %broadcast_in_dim3A_3 : vector<16xf32> to vector<1x16xf32>
      tpu.vector_store %arg5[%swap3A, %swap3A_88], %swap3A_91 {strides = array<i32>} : memref<128x128xf32, #tpu.memory_space<vmem>>, vector<1x16xf32>,
    }
    %scan3A_32 = arith.constant 1024 : i32
    "tpu.region"() ({
      %run_scoped3A = tpu.sem_alloc : memref<!tpu.dma_semaphore, #tpu.memory_space<semaphore_mem>>
      %dma_start3A = arith.constant 0 : i32
      %dma_start3A_79 = arith.constant 0 : i32
      %dma_start3A_80 = tpu.memref_slice %arg2[%add3A, %dma_start3A, %dma_start3A_79] : memref<32x80x128xi32, #tpu.memory_space<hbm>> -> memref<1x80x128xi32, #tpu.memory_space<hbm>>
      %dma_start3A_81 = tpu.memref_squeeze %dma_start3A_80 : memref<1x80x128xi32, #tpu.memory_space<hbm>> -> memref<80x128xi32, #tpu.memory_space<hbm>>
      %dma_start3A_82 = arith.constant 0 : i32
      %dma_start3A_83 = arith.constant 0 : i32
      %dma_start3A_84 = tpu.memref_slice %arg2[%add3A, %dma_start3A_82, %dma_start3A_83] : memref<32x80x128xi32, #tpu.memory_space<hbm>> -> memref<1x80x128xi32, #tpu.memory_space<hbm>>
      %dma_start3A_85 = tpu.memref_squeeze %dma_start3A_84 : memref<1x80x128xi32, #tpu.memory_space<hbm>> -> memref<80x128xi32, #tpu.memory_space<hbm>>
      tpu.enqueue_dma source(%dma_start3A_85 : memref<80x128xi32, #tpu.memory_space<hbm>>) target(%arg4 : memref<80x128xi32, #tpu.memory_space<vmem>>) target_semaphore(%run_scoped3A : memref<!tpu.dma_semaphore, #tpu.memory_space<semaphore_mem>>)
      %dma_wait3A = arith.constant 0 : i32
      %dma_wait3A_86 = arith.constant 0 : i32
      %dma_wait3A_87 = tpu.memref_slice %arg2[%add3A, %dma_wait3A, %dma_wait3A_86] : memref<32x80x128xi32, #tpu.memory_space<hbm>> -> memref<1x80x128xi32, #tpu.memory_space<hbm>>
      %dma_wait3A_88 = tpu.memref_squeeze %dma_wait3A_87 : memref<1x80x128xi32, #tpu.memory_space<hbm>> -> memref<80x128xi32, #tpu.memory_space<hbm>>
      %dma_wait3A_89 = arith.constant 0 : i32
      %dma_wait3A_90 = arith.constant 0 : i32
      %dma_wait3A_91 = tpu.memref_slice %arg2[%add3A, %dma_wait3A_89, %dma_wait3A_90] : memref<32x80x128xi32, #tpu.memory_space<hbm>> -> memref<1x80x128xi32, #tpu.memory_space<hbm>>
      %dma_wait3A_92 = tpu.memref_squeeze %dma_wait3A_91 : memref<1x80x128xi32, #tpu.memory_space<hbm>> -> memref<80x128xi32, #tpu.memory_space<hbm>>
      tpu.wait_dma2 semaphore(%run_scoped3A : memref<!tpu.dma_semaphore, #tpu.memory_space<semaphore_mem>>) src(%dma_wait3A_92 : memref<80x128xi32, #tpu.memory_space<hbm>>) dst(%arg4 : memref<80x128xi32, #tpu.memory_space<vmem>>)
      tpu.yield
    }) : () -> ()
    %barrier3A = arith.constant 0 : index
    tpu.barrier barrier_id(%barrier3A)
    %scan3A_33 = arith.constant 0 : i32
    %scan3A_34 = arith.constant 80 : i32
    %scan3A_35 = arith.addi %scan3A_33, %scan3A_34 : i32
    %scan3A_36 = arith.constant 1 : i32
    scf.for %scan3A_79 = %scan3A_33 to %scan3A_35 step %scan3A_36  : i32 {
      %mul3A_80 = arith.constant 1 : i32
      %mul3A_81 = arith.muli %scan3A_79, %mul3A_80 : i32
      %add3A_82 = arith.constant 0 : i32
      %add3A_83 = arith.addi %add3A_82, %mul3A_81 : i32
      "tpu.region"() ({
        %run_scoped3A = tpu.sem_alloc : memref<!tpu.dma_semaphore, #tpu.memory_space<semaphore_mem>>
        %dma_start3A = arith.constant 0 : i32
        %dma_start3A_84 = tpu.memref_slice %arg4[%add3A_83, %dma_start3A] : memref<80x128xi32, #tpu.memory_space<vmem>> -> memref<1x128xi32, #tpu.memory_space<vmem>>
        %dma_start3A_85 = tpu.memref_squeeze %dma_start3A_84 : memref<1x128xi32, #tpu.memory_space<vmem>> -> memref<128xi32, #tpu.memory_space<vmem>>
        %dma_start3A_86 = arith.constant 0 : i32
        %dma_start3A_87 = arith.constant 0 : i32
        %dma_start3A_88 = tpu.memref_slice %arg6[%dma_start3A_86, %dma_start3A_87] : memref<10240x128xf32, #tpu.memory_space<vmem_shared>> -> memref<10240x128xf32, #tpu.memory_space<vmem_shared>>
        tpu.enqueue_indirect_dma source(%arg5 : memref<128x128xf32, #tpu.memory_space<vmem>>) target(%dma_start3A_88 : memref<10240x128xf32, #tpu.memory_space<vmem_shared>>) offsets(%dma_start3A_85 : memref<128xi32, #tpu.memory_space<vmem>>) semaphore(%run_scoped3A : memref<!tpu.dma_semaphore, #tpu.memory_space<semaphore_mem>>) {add = true}
        %dma_wait3A = arith.constant 0 : i32
        %dma_wait3A_89 = tpu.memref_slice %arg4[%add3A_83, %dma_wait3A] : memref<80x128xi32, #tpu.memory_space<vmem>> -> memref<1x128xi32, #tpu.memory_space<vmem>>
        %dma_wait3A_90 = tpu.memref_squeeze %dma_wait3A_89 : memref<1x128xi32, #tpu.memory_space<vmem>> -> memref<128xi32, #tpu.memory_space<vmem>>
        %dma_wait3A_91 = arith.constant 0 : i32
        %dma_wait3A_92 = arith.constant 0 : i32
        %dma_wait3A_93 = tpu.memref_slice %arg6[%dma_wait3A_91, %dma_wait3A_92] : memref<10240x128xf32, #tpu.memory_space<vmem_shared>> -> memref<10240x128xf32, #tpu.memory_space<vmem_shared>>
        tpu.wait_indirect_dma semaphore(%run_scoped3A : memref<!tpu.dma_semaphore, #tpu.memory_space<semaphore_mem>>) src(%arg5 : memref<128x128xf32, #tpu.memory_space<vmem>>) dst(%dma_wait3A_93 : memref<10240x128xf32, #tpu.memory_space<vmem_shared>>)
        tpu.yield
      }) : () -> ()
    }
    %scan3A_37 = arith.constant 80 : i32
    %barrier3A_38 = arith.constant 0 : index
    tpu.barrier barrier_id(%barrier3A_38)
    %mul3A_39 = arith.constant 640 : i32
    %mul3A_40 = arith.muli %arg1, %mul3A_39 : i32
    %add3A_41 = arith.constant 0 : i32
    %add3A_42 = arith.addi %mul3A_40, %add3A_41 : i32
    "tpu.region"() ({
      %run_scoped3A = tpu.sem_alloc : memref<!tpu.dma_semaphore, #tpu.memory_space<semaphore_mem>>
      %dma_start3A = arith.constant 0 : i32
      %dma_start3A_79 = tpu.memref_slice %arg6[%add3A_42, %dma_start3A] : memref<10240x128xf32, #tpu.memory_space<vmem_shared>> -> memref<128x128xf32, #tpu.memory_space<vmem_shared>>
      %dma_start3A_80 = arith.constant 0 : i32
      %dma_start3A_81 = tpu.memref_slice %arg6[%add3A_42, %dma_start3A_80] : memref<10240x128xf32, #tpu.memory_space<vmem_shared>> -> memref<128x128xf32, #tpu.memory_space<vmem_shared>>
      tpu.enqueue_dma source(%dma_start3A_81 : memref<128x128xf32, #tpu.memory_space<vmem_shared>>) target(%arg5 : memref<128x128xf32, #tpu.memory_space<vmem>>) target_semaphore(%run_scoped3A : memref<!tpu.dma_semaphore, #tpu.memory_space<semaphore_mem>>)
      %dma_wait3A = arith.constant 0 : i32
      %dma_wait3A_82 = tpu.memref_slice %arg6[%add3A_42, %dma_wait3A] : memref<10240x128xf32, #tpu.memory_space<vmem_shared>> -> memref<128x128xf32, #tpu.memory_space<vmem_shared>>
      %dma_wait3A_83 = arith.constant 0 : i32
      %dma_wait3A_84 = tpu.memref_slice %arg6[%add3A_42, %dma_wait3A_83] : memref<10240x128xf32, #tpu.memory_space<vmem_shared>> -> memref<128x128xf32, #tpu.memory_space<vmem_shared>>
      tpu.wait_dma2 semaphore(%run_scoped3A : memref<!tpu.dma_semaphore, #tpu.memory_space<semaphore_mem>>) src(%dma_wait3A_84 : memref<128x128xf32, #tpu.memory_space<vmem_shared>>) dst(%arg5 : memref<128x128xf32, #tpu.memory_space<vmem>>)
      tpu.yield
    }) : () -> ()
    %mul3A_43 = arith.constant 640 : i32
    %mul3A_44 = arith.muli %arg1, %mul3A_43 : i32
    %add3A_45 = arith.constant 0 : i32
    %add3A_46 = arith.addi %mul3A_44, %add3A_45 : i32
    "tpu.region"() ({
      %run_scoped3A = tpu.sem_alloc : memref<!tpu.dma_semaphore, #tpu.memory_space<semaphore_mem>>
      %dma_start3A = arith.constant 0 : i32
      %dma_start3A_79 = tpu.memref_slice %arg3[%arg0, %add3A_46, %dma_start3A] : memref<2x10240x128xf32, #tpu.memory_space<hbm>> -> memref<1x128x128xf32, #tpu.memory_space<hbm>>
      %dma_start3A_80 = tpu.memref_squeeze %dma_start3A_79 : memref<1x128x128xf32, #tpu.memory_space<hbm>> -> memref<128x128xf32, #tpu.memory_space<hbm>>
      %dma_start3A_81 = arith.constant 0 : i32
      %dma_start3A_82 = tpu.memref_slice %arg3[%arg0, %add3A_46, %dma_start3A_81] : memref<2x10240x128xf32, #tpu.memory_space<hbm>> -> memref<1x128x128xf32, #tpu.memory_space<hbm>>
      %dma_start3A_83 = tpu.memref_squeeze %dma_start3A_82 : memref<1x128x128xf32, #tpu.memory_space<hbm>> -> memref<128x128xf32, #tpu.memory_space<hbm>>
      tpu.enqueue_dma source(%arg5 : memref<128x128xf32, #tpu.memory_space<vmem>>) target(%dma_start3A_83 : memref<128x128xf32, #tpu.memory_space<hbm>>) target_semaphore(%run_scoped3A : memref<!tpu.dma_semaphore, #tpu.memory_space<semaphore_mem>>)
      %dma_wait3A = arith.constant 0 : i32
      %dma_wait3A_84 = tpu.memref_slice %arg3[%arg0, %add3A_46, %dma_wait3A] : memref<2x10240x128xf32, #tpu.memory_space<hbm>> -> memref<1x128x128xf32, #tpu.memory_space<hbm>>
      %dma_wait3A_85 = tpu.memref_squeeze %dma_wait3A_84 : memref<1x128x128xf32, #tpu.memory_space<hbm>> -> memref<128x128xf32, #tpu.memory_space<hbm>>
      %dma_wait3A_86 = arith.constant 0 : i32
      %dma_wait3A_87 = tpu.memref_slice %arg3[%arg0, %add3A_46, %dma_wait3A_86] : memref<2x10240x128xf32, #tpu.memory_space<hbm>> -> memref<1x128x128xf32, #tpu.memory_space<hbm>>
      %dma_wait3A_88 = tpu.memref_squeeze %dma_wait3A_87 : memref<1x128x128xf32, #tpu.memory_space<hbm>> -> memref<128x128xf32, #tpu.memory_space<hbm>>
      tpu.wait_dma2 semaphore(%run_scoped3A : memref<!tpu.dma_semaphore, #tpu.memory_space<semaphore_mem>>) src(%arg5 : memref<128x128xf32, #tpu.memory_space<vmem>>) dst(%dma_wait3A_88 : memref<128x128xf32, #tpu.memory_space<hbm>>)
      tpu.yield
    }) : () -> ()
    %mul3A_47 = arith.constant 640 : i32
    %mul3A_48 = arith.muli %arg1, %mul3A_47 : i32
    %add3A_49 = arith.constant 128 : i32
    %add3A_50 = arith.addi %mul3A_48, %add3A_49 : i32
    "tpu.region"() ({
      %run_scoped3A = tpu.sem_alloc : memref<!tpu.dma_semaphore, #tpu.memory_space<semaphore_mem>>
      %dma_start3A = arith.constant 0 : i32
      %dma_start3A_79 = tpu.memref_slice %arg6[%add3A_50, %dma_start3A] : memref<10240x128xf32, #tpu.memory_space<vmem_shared>> -> memref<128x128xf32, #tpu.memory_space<vmem_shared>>
      %dma_start3A_80 = arith.constant 0 : i32
      %dma_start3A_81 = tpu.memref_slice %arg6[%add3A_50, %dma_start3A_80] : memref<10240x128xf32, #tpu.memory_space<vmem_shared>> -> memref<128x128xf32, #tpu.memory_space<vmem_shared>>
      tpu.enqueue_dma source(%dma_start3A_81 : memref<128x128xf32, #tpu.memory_space<vmem_shared>>) target(%arg5 : memref<128x128xf32, #tpu.memory_space<vmem>>) target_semaphore(%run_scoped3A : memref<!tpu.dma_semaphore, #tpu.memory_space<semaphore_mem>>)
      %dma_wait3A = arith.constant 0 : i32
      %dma_wait3A_82 = tpu.memref_slice %arg6[%add3A_50, %dma_wait3A] : memref<10240x128xf32, #tpu.memory_space<vmem_shared>> -> memref<128x128xf32, #tpu.memory_space<vmem_shared>>
      %dma_wait3A_83 = arith.constant 0 : i32
      %dma_wait3A_84 = tpu.memref_slice %arg6[%add3A_50, %dma_wait3A_83] : memref<10240x128xf32, #tpu.memory_space<vmem_shared>> -> memref<128x128xf32, #tpu.memory_space<vmem_shared>>
      tpu.wait_dma2 semaphore(%run_scoped3A : memref<!tpu.dma_semaphore, #tpu.memory_space<semaphore_mem>>) src(%dma_wait3A_84 : memref<128x128xf32, #tpu.memory_space<vmem_shared>>) dst(%arg5 : memref<128x128xf32, #tpu.memory_space<vmem>>)
      tpu.yield
    }) : () -> ()
    %mul3A_51 = arith.constant 640 : i32
    %mul3A_52 = arith.muli %arg1, %mul3A_51 : i32
    %add3A_53 = arith.constant 128 : i32
    %add3A_54 = arith.addi %mul3A_52, %add3A_53 : i32
    "tpu.region"() ({
      %run_scoped3A = tpu.sem_alloc : memref<!tpu.dma_semaphore, #tpu.memory_space<semaphore_mem>>
      %dma_start3A = arith.constant 0 : i32
      %dma_start3A_79 = tpu.memref_slice %arg3[%arg0, %add3A_54, %dma_start3A] : memref<2x10240x128xf32, #tpu.memory_space<hbm>> -> memref<1x128x128xf32, #tpu.memory_space<hbm>>
      %dma_start3A_80 = tpu.memref_squeeze %dma_start3A_79 : memref<1x128x128xf32, #tpu.memory_space<hbm>> -> memref<128x128xf32, #tpu.memory_space<hbm>>
      %dma_start3A_81 = arith.constant 0 : i32
      %dma_start3A_82 = tpu.memref_slice %arg3[%arg0, %add3A_54, %dma_start3A_81] : memref<2x10240x128xf32, #tpu.memory_space<hbm>> -> memref<1x128x128xf32, #tpu.memory_space<hbm>>
      %dma_start3A_83 = tpu.memref_squeeze %dma_start3A_82 : memref<1x128x128xf32, #tpu.memory_space<hbm>> -> memref<128x128xf32, #tpu.memory_space<hbm>>
      tpu.enqueue_dma source(%arg5 : memref<128x128xf32, #tpu.memory_space<vmem>>) target(%dma_start3A_83 : memref<128x128xf32, #tpu.memory_space<hbm>>) target_semaphore(%run_scoped3A : memref<!tpu.dma_semaphore, #tpu.memory_space<semaphore_mem>>)
      %dma_wait3A = arith.constant 0 : i32
      %dma_wait3A_84 = tpu.memref_slice %arg3[%arg0, %add3A_54, %dma_wait3A] : memref<2x10240x128xf32, #tpu.memory_space<hbm>> -> memref<1x128x128xf32, #tpu.memory_space<hbm>>
      %dma_wait3A_85 = tpu.memref_squeeze %dma_wait3A_84 : memref<1x128x128xf32, #tpu.memory_space<hbm>> -> memref<128x128xf32, #tpu.memory_space<hbm>>
      %dma_wait3A_86 = arith.constant 0 : i32
      %dma_wait3A_87 = tpu.memref_slice %arg3[%arg0, %add3A_54, %dma_wait3A_86] : memref<2x10240x128xf32, #tpu.memory_space<hbm>> -> memref<1x128x128xf32, #tpu.memory_space<hbm>>
      %dma_wait3A_88 = tpu.memref_squeeze %dma_wait3A_87 : memref<1x128x128xf32, #tpu.memory_space<hbm>> -> memref<128x128xf32, #tpu.memory_space<hbm>>
      tpu.wait_dma2 semaphore(%run_scoped3A : memref<!tpu.dma_semaphore, #tpu.memory_space<semaphore_mem>>) src(%arg5 : memref<128x128xf32, #tpu.memory_space<vmem>>) dst(%dma_wait3A_88 : memref<128x128xf32, #tpu.memory_space<hbm>>)
      tpu.yield
    }) : () -> ()
    %mul3A_55 = arith.constant 640 : i32
    %mul3A_56 = arith.muli %arg1, %mul3A_55 : i32
    %add3A_57 = arith.constant 256 : i32
    %add3A_58 = arith.addi %mul3A_56, %add3A_57 : i32
    "tpu.region"() ({
      %run_scoped3A = tpu.sem_alloc : memref<!tpu.dma_semaphore, #tpu.memory_space<semaphore_mem>>
      %dma_start3A = arith.constant 0 : i32
      %dma_start3A_79 = tpu.memref_slice %arg6[%add3A_58, %dma_start3A] : memref<10240x128xf32, #tpu.memory_space<vmem_shared>> -> memref<128x128xf32, #tpu.memory_space<vmem_shared>>
      %dma_start3A_80 = arith.constant 0 : i32
      %dma_start3A_81 = tpu.memref_slice %arg6[%add3A_58, %dma_start3A_80] : memref<10240x128xf32, #tpu.memory_space<vmem_shared>> -> memref<128x128xf32, #tpu.memory_space<vmem_shared>>
      tpu.enqueue_dma source(%dma_start3A_81 : memref<128x128xf32, #tpu.memory_space<vmem_shared>>) target(%arg5 : memref<128x128xf32, #tpu.memory_space<vmem>>) target_semaphore(%run_scoped3A : memref<!tpu.dma_semaphore, #tpu.memory_space<semaphore_mem>>)
      %dma_wait3A = arith.constant 0 : i32
      %dma_wait3A_82 = tpu.memref_slice %arg6[%add3A_58, %dma_wait3A] : memref<10240x128xf32, #tpu.memory_space<vmem_shared>> -> memref<128x128xf32, #tpu.memory_space<vmem_shared>>
      %dma_wait3A_83 = arith.constant 0 : i32
      %dma_wait3A_84 = tpu.memref_slice %arg6[%add3A_58, %dma_wait3A_83] : memref<10240x128xf32, #tpu.memory_space<vmem_shared>> -> memref<128x128xf32, #tpu.memory_space<vmem_shared>>
      tpu.wait_dma2 semaphore(%run_scoped3A : memref<!tpu.dma_semaphore, #tpu.memory_space<semaphore_mem>>) src(%dma_wait3A_84 : memref<128x128xf32, #tpu.memory_space<vmem_shared>>) dst(%arg5 : memref<128x128xf32, #tpu.memory_space<vmem>>)
      tpu.yield
    }) : () -> ()
    %mul3A_59 = arith.constant 640 : i32
    %mul3A_60 = arith.muli %arg1, %mul3A_59 : i32
    %add3A_61 = arith.constant 256 : i32
    %add3A_62 = arith.addi %mul3A_60, %add3A_61 : i32
    "tpu.region"() ({
      %run_scoped3A = tpu.sem_alloc : memref<!tpu.dma_semaphore, #tpu.memory_space<semaphore_mem>>
      %dma_start3A = arith.constant 0 : i32
      %dma_start3A_79 = tpu.memref_slice %arg3[%arg0, %add3A_62, %dma_start3A] : memref<2x10240x128xf32, #tpu.memory_space<hbm>> -> memref<1x128x128xf32, #tpu.memory_space<hbm>>
      %dma_start3A_80 = tpu.memref_squeeze %dma_start3A_79 : memref<1x128x128xf32, #tpu.memory_space<hbm>> -> memref<128x128xf32, #tpu.memory_space<hbm>>
      %dma_start3A_81 = arith.constant 0 : i32
      %dma_start3A_82 = tpu.memref_slice %arg3[%arg0, %add3A_62, %dma_start3A_81] : memref<2x10240x128xf32, #tpu.memory_space<hbm>> -> memref<1x128x128xf32, #tpu.memory_space<hbm>>
      %dma_start3A_83 = tpu.memref_squeeze %dma_start3A_82 : memref<1x128x128xf32, #tpu.memory_space<hbm>> -> memref<128x128xf32, #tpu.memory_space<hbm>>
      tpu.enqueue_dma source(%arg5 : memref<128x128xf32, #tpu.memory_space<vmem>>) target(%dma_start3A_83 : memref<128x128xf32, #tpu.memory_space<hbm>>) target_semaphore(%run_scoped3A : memref<!tpu.dma_semaphore, #tpu.memory_space<semaphore_mem>>)
      %dma_wait3A = arith.constant 0 : i32
      %dma_wait3A_84 = tpu.memref_slice %arg3[%arg0, %add3A_62, %dma_wait3A] : memref<2x10240x128xf32, #tpu.memory_space<hbm>> -> memref<1x128x128xf32, #tpu.memory_space<hbm>>
      %dma_wait3A_85 = tpu.memref_squeeze %dma_wait3A_84 : memref<1x128x128xf32, #tpu.memory_space<hbm>> -> memref<128x128xf32, #tpu.memory_space<hbm>>
      %dma_wait3A_86 = arith.constant 0 : i32
      %dma_wait3A_87 = tpu.memref_slice %arg3[%arg0, %add3A_62, %dma_wait3A_86] : memref<2x10240x128xf32, #tpu.memory_space<hbm>> -> memref<1x128x128xf32, #tpu.memory_space<hbm>>
      %dma_wait3A_88 = tpu.memref_squeeze %dma_wait3A_87 : memref<1x128x128xf32, #tpu.memory_space<hbm>> -> memref<128x128xf32, #tpu.memory_space<hbm>>
      tpu.wait_dma2 semaphore(%run_scoped3A : memref<!tpu.dma_semaphore, #tpu.memory_space<semaphore_mem>>) src(%arg5 : memref<128x128xf32, #tpu.memory_space<vmem>>) dst(%dma_wait3A_88 : memref<128x128xf32, #tpu.memory_space<hbm>>)
      tpu.yield
    }) : () -> ()
    %mul3A_63 = arith.constant 640 : i32
    %mul3A_64 = arith.muli %arg1, %mul3A_63 : i32
    %add3A_65 = arith.constant 384 : i32
    %add3A_66 = arith.addi %mul3A_64, %add3A_65 : i32
    "tpu.region"() ({
      %run_scoped3A = tpu.sem_alloc : memref<!tpu.dma_semaphore, #tpu.memory_space<semaphore_mem>>
      %dma_start3A = arith.constant 0 : i32
      %dma_start3A_79 = tpu.memref_slice %arg6[%add3A_66, %dma_start3A] : memref<10240x128xf32, #tpu.memory_space<vmem_shared>> -> memref<128x128xf32, #tpu.memory_space<vmem_shared>>
      %dma_start3A_80 = arith.constant 0 : i32
      %dma_start3A_81 = tpu.memref_slice %arg6[%add3A_66, %dma_start3A_80] : memref<10240x128xf32, #tpu.memory_space<vmem_shared>> -> memref<128x128xf32, #tpu.memory_space<vmem_shared>>
      tpu.enqueue_dma source(%dma_start3A_81 : memref<128x128xf32, #tpu.memory_space<vmem_shared>>) target(%arg5 : memref<128x128xf32, #tpu.memory_space<vmem>>) target_semaphore(%run_scoped3A : memref<!tpu.dma_semaphore, #tpu.memory_space<semaphore_mem>>)
      %dma_wait3A = arith.constant 0 : i32
      %dma_wait3A_82 = tpu.memref_slice %arg6[%add3A_66, %dma_wait3A] : memref<10240x128xf32, #tpu.memory_space<vmem_shared>> -> memref<128x128xf32, #tpu.memory_space<vmem_shared>>
      %dma_wait3A_83 = arith.constant 0 : i32
      %dma_wait3A_84 = tpu.memref_slice %arg6[%add3A_66, %dma_wait3A_83] : memref<10240x128xf32, #tpu.memory_space<vmem_shared>> -> memref<128x128xf32, #tpu.memory_space<vmem_shared>>
      tpu.wait_dma2 semaphore(%run_scoped3A : memref<!tpu.dma_semaphore, #tpu.memory_space<semaphore_mem>>) src(%dma_wait3A_84 : memref<128x128xf32, #tpu.memory_space<vmem_shared>>) dst(%arg5 : memref<128x128xf32, #tpu.memory_space<vmem>>)
      tpu.yield
    }) : () -> ()
    %mul3A_67 = arith.constant 640 : i32
    %mul3A_68 = arith.muli %arg1, %mul3A_67 : i32
    %add3A_69 = arith.constant 384 : i32
    %add3A_70 = arith.addi %mul3A_68, %add3A_69 : i32
    "tpu.region"() ({
      %run_scoped3A = tpu.sem_alloc : memref<!tpu.dma_semaphore, #tpu.memory_space<semaphore_mem>>
      %dma_start3A = arith.constant 0 : i32
      %dma_start3A_79 = tpu.memref_slice %arg3[%arg0, %add3A_70, %dma_start3A] : memref<2x10240x128xf32, #tpu.memory_space<hbm>> -> memref<1x128x128xf32, #tpu.memory_space<hbm>>
      %dma_start3A_80 = tpu.memref_squeeze %dma_start3A_79 : memref<1x128x128xf32, #tpu.memory_space<hbm>> -> memref<128x128xf32, #tpu.memory_space<hbm>>
      %dma_start3A_81 = arith.constant 0 : i32
      %dma_start3A_82 = tpu.memref_slice %arg3[%arg0, %add3A_70, %dma_start3A_81] : memref<2x10240x128xf32, #tpu.memory_space<hbm>> -> memref<1x128x128xf32, #tpu.memory_space<hbm>>
      %dma_start3A_83 = tpu.memref_squeeze %dma_start3A_82 : memref<1x128x128xf32, #tpu.memory_space<hbm>> -> memref<128x128xf32, #tpu.memory_space<hbm>>
      tpu.enqueue_dma source(%arg5 : memref<128x128xf32, #tpu.memory_space<vmem>>) target(%dma_start3A_83 : memref<128x128xf32, #tpu.memory_space<hbm>>) target_semaphore(%run_scoped3A : memref<!tpu.dma_semaphore, #tpu.memory_space<semaphore_mem>>)
      %dma_wait3A = arith.constant 0 : i32
      %dma_wait3A_84 = tpu.memref_slice %arg3[%arg0, %add3A_70, %dma_wait3A] : memref<2x10240x128xf32, #tpu.memory_space<hbm>> -> memref<1x128x128xf32, #tpu.memory_space<hbm>>
      %dma_wait3A_85 = tpu.memref_squeeze %dma_wait3A_84 : memref<1x128x128xf32, #tpu.memory_space<hbm>> -> memref<128x128xf32, #tpu.memory_space<hbm>>
      %dma_wait3A_86 = arith.constant 0 : i32
      %dma_wait3A_87 = tpu.memref_slice %arg3[%arg0, %add3A_70, %dma_wait3A_86] : memref<2x10240x128xf32, #tpu.memory_space<hbm>> -> memref<1x128x128xf32, #tpu.memory_space<hbm>>
      %dma_wait3A_88 = tpu.memref_squeeze %dma_wait3A_87 : memref<1x128x128xf32, #tpu.memory_space<hbm>> -> memref<128x128xf32, #tpu.memory_space<hbm>>
      tpu.wait_dma2 semaphore(%run_scoped3A : memref<!tpu.dma_semaphore, #tpu.memory_space<semaphore_mem>>) src(%arg5 : memref<128x128xf32, #tpu.memory_space<vmem>>) dst(%dma_wait3A_88 : memref<128x128xf32, #tpu.memory_space<hbm>>)
      tpu.yield
    }) : () -> ()
    %mul3A_71 = arith.constant 640 : i32
    %mul3A_72 = arith.muli %arg1, %mul3A_71 : i32
    %add3A_73 = arith.constant 512 : i32
    %add3A_74 = arith.addi %mul3A_72, %add3A_73 : i32
    "tpu.region"() ({
      %run_scoped3A = tpu.sem_alloc : memref<!tpu.dma_semaphore, #tpu.memory_space<semaphore_mem>>
      %dma_start3A = arith.constant 0 : i32
      %dma_start3A_79 = tpu.memref_slice %arg6[%add3A_74, %dma_start3A] : memref<10240x128xf32, #tpu.memory_space<vmem_shared>> -> memref<128x128xf32, #tpu.memory_space<vmem_shared>>
      %dma_start3A_80 = arith.constant 0 : i32
      %dma_start3A_81 = tpu.memref_slice %arg6[%add3A_74, %dma_start3A_80] : memref<10240x128xf32, #tpu.memory_space<vmem_shared>> -> memref<128x128xf32, #tpu.memory_space<vmem_shared>>
      tpu.enqueue_dma source(%dma_start3A_81 : memref<128x128xf32, #tpu.memory_space<vmem_shared>>) target(%arg5 : memref<128x128xf32, #tpu.memory_space<vmem>>) target_semaphore(%run_scoped3A : memref<!tpu.dma_semaphore, #tpu.memory_space<semaphore_mem>>)
      %dma_wait3A = arith.constant 0 : i32
      %dma_wait3A_82 = tpu.memref_slice %arg6[%add3A_74, %dma_wait3A] : memref<10240x128xf32, #tpu.memory_space<vmem_shared>> -> memref<128x128xf32, #tpu.memory_space<vmem_shared>>
      %dma_wait3A_83 = arith.constant 0 : i32
      %dma_wait3A_84 = tpu.memref_slice %arg6[%add3A_74, %dma_wait3A_83] : memref<10240x128xf32, #tpu.memory_space<vmem_shared>> -> memref<128x128xf32, #tpu.memory_space<vmem_shared>>
      tpu.wait_dma2 semaphore(%run_scoped3A : memref<!tpu.dma_semaphore, #tpu.memory_space<semaphore_mem>>) src(%dma_wait3A_84 : memref<128x128xf32, #tpu.memory_space<vmem_shared>>) dst(%arg5 : memref<128x128xf32, #tpu.memory_space<vmem>>)
      tpu.yield
    }) : () -> ()
    %mul3A_75 = arith.constant 640 : i32
    %mul3A_76 = arith.muli %arg1, %mul3A_75 : i32
    %add3A_77 = arith.constant 512 : i32
    %add3A_78 = arith.addi %mul3A_76, %add3A_77 : i32
    "tpu.region"() ({
      %run_scoped3A = tpu.sem_alloc : memref<!tpu.dma_semaphore, #tpu.memory_space<semaphore_mem>>
      %dma_start3A = arith.constant 0 : i32
      %dma_start3A_79 = tpu.memref_slice %arg3[%arg0, %add3A_78, %dma_start3A] : memref<2x10240x128xf32, #tpu.memory_space<hbm>> -> memref<1x128x128xf32, #tpu.memory_space<hbm>>
      %dma_start3A_80 = tpu.memref_squeeze %dma_start3A_79 : memref<1x128x128xf32, #tpu.memory_space<hbm>> -> memref<128x128xf32, #tpu.memory_space<hbm>>
      %dma_start3A_81 = arith.constant 0 : i32
      %dma_start3A_82 = tpu.memref_slice %arg3[%arg0, %add3A_78, %dma_start3A_81] : memref<2x10240x128xf32, #tpu.memory_space<hbm>> -> memref<1x128x128xf32, #tpu.memory_space<hbm>>
      %dma_start3A_83 = tpu.memref_squeeze %dma_start3A_82 : memref<1x128x128xf32, #tpu.memory_space<hbm>> -> memref<128x128xf32, #tpu.memory_space<hbm>>
      tpu.enqueue_dma source(%arg5 : memref<128x128xf32, #tpu.memory_space<vmem>>) target(%dma_start3A_83 : memref<128x128xf32, #tpu.memory_space<hbm>>) target_semaphore(%run_scoped3A : memref<!tpu.dma_semaphore, #tpu.memory_space<semaphore_mem>>)
      %dma_wait3A = arith.constant 0 : i32
      %dma_wait3A_84 = tpu.memref_slice %arg3[%arg0, %add3A_78, %dma_wait3A] : memref<2x10240x128xf32, #tpu.memory_space<hbm>> -> memref<1x128x128xf32, #tpu.memory_space<hbm>>
      %dma_wait3A_85 = tpu.memref_squeeze %dma_wait3A_84 : memref<1x128x128xf32, #tpu.memory_space<hbm>> -> memref<128x128xf32, #tpu.memory_space<hbm>>
      %dma_wait3A_86 = arith.constant 0 : i32
      %dma_wait3A_87 = tpu.memref_slice %arg3[%arg0, %add3A_78, %dma_wait3A_86] : memref<2x10240x128xf32, #tpu.memory_space<hbm>> -> memref<1x128x128xf32, #tpu.memory_space<hbm>>
      %dma_wait3A_88 = tpu.memref_squeeze %dma_wait3A_87 : memref<1x128x128xf32, #tpu.memory_space<hbm>> -> memref<128x128xf32, #tpu.memory_space<hbm>>
      tpu.wait_dma2 semaphore(%run_scoped3A : memref<!tpu.dma_semaphore, #tpu.memory_space<semaphore_mem>>) src(%arg5 : memref<128x128xf32, #tpu.memory_space<vmem>>) dst(%dma_wait3A_88 : memref<128x128xf32, #tpu.memory_space<hbm>>)
      tpu.yield
    }) : () -> ()
    return
  }
}

module attributes {stable_mosaic.version = 14 : i64} {
  func.func @_mm_body(%arg0: i32, %arg1: memref<1024x128xf32, #tpu.memory_space<vmem>>, %arg2: memref<128x128xf32, #tpu.memory_space<vmem>>, %arg3: memref<2x1024x128xf32, #tpu.memory_space<vmem>>, %arg4: memref<1024x128xf32, #tpu.memory_space<vmem>>) attributes {dimension_semantics = [#tpu.dimension_semantics<arbitrary>], iteration_bounds = array<i64: 10>, scalar_prefetch = 0 : i64, scratch_operands = 0 : i64, tpu.core_type = #tpu.core_type<tc>, window_params = [{transform_indices = @transform_0, window_bounds = array<i64: 1024, 128>}, {pipeline_mode = #tpu.pipeline_mode<synchronous>, transform_indices = @transform_1, window_bounds = array<i64: 128, 128>}, {transform_indices = @transform_2, window_bounds = array<i64: 2, 1024, 128>}, {transform_indices = @transform_3, window_bounds = array<i64: 1024, 128>}]} {
    %get3A = arith.constant 0 : index
    %get3A_0 = arith.constant 0 : index
    %get3A_1 = vector.load %arg1[%get3A, %get3A_0] : memref<1024x128xf32, #tpu.memory_space<vmem>>, vector<1024x128xf32>
    %get3A_2 = arith.constant 0 : index
    %get3A_3 = arith.constant 0 : index
    %get3A_4 = vector.load %arg2[%get3A_2, %get3A_3] : memref<128x128xf32, #tpu.memory_space<vmem>>, vector<128x128xf32>
    %dot_general3A = arith.constant dense<0.000000e+00> : vector<1024x128xf32>
    %dot_general3A_5 = tpu.matmul %get3A_1, %get3A_4, %dot_general3A {dimension_numbers = #tpu.dot_dimension_numbers<[1], [1], [0], [0], [0, 0, 1, 0], [], []>, transpose_lhs_hint = false} : vector<1024x128xf32>, vector<128x128xf32>, vector<1024x128xf32> -> vector<1024x128xf32>
    %get3A_6 = arith.constant 0 : index
    %get3A_7 = arith.constant 0 : index
    %get3A_8 = arith.constant 0 : index
    %get3A_9 = vector.load %arg3[%get3A_6, %get3A_7, %get3A_8] : memref<2x1024x128xf32, #tpu.memory_space<vmem>>, vector<1x1024x1xf32>
    %get3A_10 = vector.shape_cast %get3A_9 : vector<1x1024x1xf32> to vector<1024x1xf32>
    %get3A_11 = arith.constant 1 : index
    %get3A_12 = arith.constant 0 : index
    %get3A_13 = arith.constant 0 : index
    %get3A_14 = vector.load %arg3[%get3A_11, %get3A_12, %get3A_13] : memref<2x1024x128xf32, #tpu.memory_space<vmem>>, vector<1x1024x1xf32>
    %get3A_15 = vector.shape_cast %get3A_14 : vector<1x1024x1xf32> to vector<1024x1xf32>
    %add3A = arith.addf %get3A_10, %get3A_15 : vector<1024x1xf32>
    %add3A_16 = arith.constant 1.000000e+00 : f32
    %add3A_17 = vector.broadcast %add3A_16 : f32 to vector<1024x1xf32>
    %add3A_18 = arith.addf %add3A, %add3A_17 : vector<1024x1xf32>
    %rsqrt3A = math.rsqrt %add3A_18 : vector<1024x1xf32>
    %mul3A = vector.broadcast %rsqrt3A : vector<1024x1xf32> to vector<1024x128xf32>
    %mul3A_19 = arith.mulf %dot_general3A_5, %mul3A : vector<1024x128xf32>
    %swap3A = arith.constant 0 : index
    %swap3A_20 = arith.constant 0 : index
    %swap3A_21 = vector.load %arg4[%swap3A, %swap3A_20] : memref<1024x128xf32, #tpu.memory_space<vmem>>, vector<1024x128xf32>
    tpu.vector_store %arg4[%swap3A, %swap3A_20], %mul3A_19 {strides = array<i32>} : memref<1024x128xf32, #tpu.memory_space<vmem>>, vector<1024x128xf32>,
    return
  }
  func.func @transform_0(%arg0: i32) -> (i32, i32) {
    %c0_i32 = arith.constant 0 : i32
    %c0_i32_0 = arith.constant 0 : i32
    return %arg0, %c0_i32 : i32, i32
  }
  func.func @transform_1(%arg0: i32) -> (i32, i32) {
    %c0_i32 = arith.constant 0 : i32
    %c0_i32_0 = arith.constant 0 : i32
    %c0_i32_1 = arith.constant 0 : i32
    return %c0_i32, %c0_i32_0 : i32, i32
  }
  func.func @transform_2(%arg0: i32) -> (i32, i32, i32) {
    %c0_i32 = arith.constant 0 : i32
    %c0_i32_0 = arith.constant 0 : i32
    %c0_i32_1 = arith.constant 0 : i32
    return %c0_i32, %arg0, %c0_i32_0 : i32, i32, i32
  }
  func.func @transform_3(%arg0: i32) -> (i32, i32) {
    %c0_i32 = arith.constant 0 : i32
    %c0_i32_0 = arith.constant 0 : i32
    return %arg0, %c0_i32 : i32, i32
  }
}

module attributes {stable_mosaic.version = 14 : i64} {
  func.func @_epi_body(%arg0: i32, %arg1: memref<2x1024x128xf32, #tpu.memory_space<vmem>>, %arg2: memref<1024x128xf32, #tpu.memory_space<vmem>>, %arg3: memref<2x1024x128xf32, #tpu.memory_space<vmem>>, %arg4: memref<1x128xf32, #tpu.memory_space<vmem>>, %arg5: memref<1x128xf32, #tpu.memory_space<vmem>>, %arg6: memref<1x128xf32, #tpu.memory_space<vmem>>, %arg7: memref<1x128xf32, #tpu.memory_space<vmem>>, %arg8: memref<1x128xf32, #tpu.memory_space<vmem>>, %arg9: memref<1024x128xf32, #tpu.memory_space<vmem>>) attributes {dimension_semantics = [#tpu.dimension_semantics<arbitrary>], iteration_bounds = array<i64: 10>, scalar_prefetch = 0 : i64, scratch_operands = 0 : i64, tpu.core_type = #tpu.core_type<tc>, window_params = [{transform_indices = @transform_0, window_bounds = array<i64: 2, 1024, 128>}, {transform_indices = @transform_1, window_bounds = array<i64: 1024, 128>}, {transform_indices = @transform_2, window_bounds = array<i64: 2, 1024, 128>}, {pipeline_mode = #tpu.pipeline_mode<synchronous>, transform_indices = @transform_3, window_bounds = array<i64: 1, 128>}, {pipeline_mode = #tpu.pipeline_mode<synchronous>, transform_indices = @transform_4, window_bounds = array<i64: 1, 128>}, {pipeline_mode = #tpu.pipeline_mode<synchronous>, transform_indices = @transform_5, window_bounds = array<i64: 1, 128>}, {pipeline_mode = #tpu.pipeline_mode<synchronous>, transform_indices = @transform_6, window_bounds = array<i64: 1, 128>}, {pipeline_mode = #tpu.pipeline_mode<synchronous>, transform_indices = @transform_7, window_bounds = array<i64: 1, 128>}, {transform_indices = @transform_8, window_bounds = array<i64: 1024, 128>}]} {
    %get3A = arith.constant 0 : index
    %get3A_0 = arith.constant 0 : index
    %get3A_1 = arith.constant 0 : index
    %get3A_2 = vector.load %arg1[%get3A, %get3A_0, %get3A_1] : memref<2x1024x128xf32, #tpu.memory_space<vmem>>, vector<1x1024x128xf32>
    %get3A_3 = vector.shape_cast %get3A_2 : vector<1x1024x128xf32> to vector<1024x128xf32>
    %get3A_4 = arith.constant 1 : index
    %get3A_5 = arith.constant 0 : index
    %get3A_6 = arith.constant 0 : index
    %get3A_7 = vector.load %arg1[%get3A_4, %get3A_5, %get3A_6] : memref<2x1024x128xf32, #tpu.memory_space<vmem>>, vector<1x1024x128xf32>
    %get3A_8 = vector.shape_cast %get3A_7 : vector<1x1024x128xf32> to vector<1024x128xf32>
    %add3A = arith.addf %get3A_3, %get3A_8 : vector<1024x128xf32>
    %get3A_9 = arith.constant 0 : index
    %get3A_10 = arith.constant 0 : index
    %get3A_11 = vector.load %arg2[%get3A_9, %get3A_10] : memref<1024x128xf32, #tpu.memory_space<vmem>>, vector<1024x128xf32>
    %add3A_12 = arith.addf %add3A, %get3A_11 : vector<1024x128xf32>
    %get3A_13 = arith.constant 0 : index
    %get3A_14 = arith.constant 0 : index
    %get3A_15 = arith.constant 0 : index
    %get3A_16 = vector.load %arg3[%get3A_13, %get3A_14, %get3A_15] : memref<2x1024x128xf32, #tpu.memory_space<vmem>>, vector<1x1024x1xf32>
    %get3A_17 = vector.shape_cast %get3A_16 : vector<1x1024x1xf32> to vector<1024x1xf32>
    %get3A_18 = arith.constant 1 : index
    %get3A_19 = arith.constant 0 : index
    %get3A_20 = arith.constant 0 : index
    %get3A_21 = vector.load %arg3[%get3A_18, %get3A_19, %get3A_20] : memref<2x1024x128xf32, #tpu.memory_space<vmem>>, vector<1x1024x1xf32>
    %get3A_22 = vector.shape_cast %get3A_21 : vector<1x1024x1xf32> to vector<1024x1xf32>
    %add3A_23 = arith.addf %get3A_17, %get3A_22 : vector<1024x1xf32>
    %add3A_24 = arith.constant 1.000000e+00 : f32
    %add3A_25 = vector.broadcast %add3A_24 : f32 to vector<1024x1xf32>
    %add3A_26 = arith.addf %add3A_23, %add3A_25 : vector<1024x1xf32>
    %rsqrt3A = math.rsqrt %add3A_26 : vector<1024x1xf32>
    %mul3A = vector.broadcast %rsqrt3A : vector<1024x1xf32> to vector<1024x128xf32>
    %mul3A_27 = arith.mulf %add3A_12, %mul3A : vector<1024x128xf32>
    %get3A_28 = arith.constant 0 : index
    %get3A_29 = arith.constant 0 : index
    %get3A_30 = vector.load %arg4[%get3A_28, %get3A_29] : memref<1x128xf32, #tpu.memory_space<vmem>>, vector<1x128xf32>
    %add3A_31 = vector.broadcast %get3A_30 : vector<1x128xf32> to vector<1024x128xf32>
    %add3A_32 = arith.addf %mul3A_27, %add3A_31 : vector<1024x128xf32>
    %get3A_33 = arith.constant 0 : index
    %get3A_34 = arith.constant 0 : index
    %get3A_35 = vector.load %arg5[%get3A_33, %get3A_34] : memref<1x128xf32, #tpu.memory_space<vmem>>, vector<1x128xf32>
    %get3A_36 = arith.constant 0 : index
    %get3A_37 = arith.constant 0 : index
    %get3A_38 = vector.load %arg8[%get3A_36, %get3A_37] : memref<1x128xf32, #tpu.memory_space<vmem>>, vector<1x128xf32>
    %add3A_39 = arith.constant 9.99999974E-6 : f32
    %add3A_40 = vector.broadcast %add3A_39 : f32 to vector<1x128xf32>
    %add3A_41 = arith.addf %get3A_38, %add3A_40 : vector<1x128xf32>
    %rsqrt3A_42 = math.rsqrt %add3A_41 : vector<1x128xf32>
    %mul3A_43 = arith.mulf %get3A_35, %rsqrt3A_42 : vector<1x128xf32>
    %get3A_44 = arith.constant 0 : index
    %get3A_45 = arith.constant 0 : index
    %get3A_46 = vector.load %arg7[%get3A_44, %get3A_45] : memref<1x128xf32, #tpu.memory_space<vmem>>, vector<1x128xf32>
    %sub3A = vector.broadcast %get3A_46 : vector<1x128xf32> to vector<1024x128xf32>
    %sub3A_47 = arith.subf %add3A_32, %sub3A : vector<1024x128xf32>
    %mul3A_48 = vector.broadcast %mul3A_43 : vector<1x128xf32> to vector<1024x128xf32>
    %mul3A_49 = arith.mulf %sub3A_47, %mul3A_48 : vector<1024x128xf32>
    %get3A_50 = arith.constant 0 : index
    %get3A_51 = arith.constant 0 : index
    %get3A_52 = vector.load %arg6[%get3A_50, %get3A_51] : memref<1x128xf32, #tpu.memory_space<vmem>>, vector<1x128xf32>
    %add3A_53 = vector.broadcast %get3A_52 : vector<1x128xf32> to vector<1024x128xf32>
    %add3A_54 = arith.addf %mul3A_49, %add3A_53 : vector<1024x128xf32>
    %max3A = arith.constant 0.000000e+00 : f32
    %max3A_55 = vector.broadcast %max3A : f32 to vector<1024x128xf32>
    %max3A_56 = arith.maximumf %add3A_54, %max3A_55 : vector<1024x128xf32>
    %swap3A = arith.constant 0 : index
    %swap3A_57 = arith.constant 0 : index
    %swap3A_58 = vector.load %arg9[%swap3A, %swap3A_57] : memref<1024x128xf32, #tpu.memory_space<vmem>>, vector<1024x128xf32>
    tpu.vector_store %arg9[%swap3A, %swap3A_57], %max3A_56 {strides = array<i32>} : memref<1024x128xf32, #tpu.memory_space<vmem>>, vector<1024x128xf32>,
    return
  }
  func.func @transform_0(%arg0: i32) -> (i32, i32, i32) {
    %c0_i32 = arith.constant 0 : i32
    %c0_i32_0 = arith.constant 0 : i32
    %c0_i32_1 = arith.constant 0 : i32
    return %c0_i32, %arg0, %c0_i32_0 : i32, i32, i32
  }
  func.func @transform_1(%arg0: i32) -> (i32, i32) {
    %c0_i32 = arith.constant 0 : i32
    %c0_i32_0 = arith.constant 0 : i32
    return %arg0, %c0_i32 : i32, i32
  }
  func.func @transform_2(%arg0: i32) -> (i32, i32, i32) {
    %c0_i32 = arith.constant 0 : i32
    %c0_i32_0 = arith.constant 0 : i32
    %c0_i32_1 = arith.constant 0 : i32
    return %c0_i32, %arg0, %c0_i32_0 : i32, i32, i32
  }
  func.func @transform_3(%arg0: i32) -> (i32, i32) {
    %c0_i32 = arith.constant 0 : i32
    %c0_i32_0 = arith.constant 0 : i32
    %c0_i32_1 = arith.constant 0 : i32
    return %c0_i32, %c0_i32_0 : i32, i32
  }
  func.func @transform_4(%arg0: i32) -> (i32, i32) {
    %c0_i32 = arith.constant 0 : i32
    %c0_i32_0 = arith.constant 0 : i32
    %c0_i32_1 = arith.constant 0 : i32
    return %c0_i32, %c0_i32_0 : i32, i32
  }
  func.func @transform_5(%arg0: i32) -> (i32, i32) {
    %c0_i32 = arith.constant 0 : i32
    %c0_i32_0 = arith.constant 0 : i32
    %c0_i32_1 = arith.constant 0 : i32
    return %c0_i32, %c0_i32_0 : i32, i32
  }
  func.func @transform_6(%arg0: i32) -> (i32, i32) {
    %c0_i32 = arith.constant 0 : i32
    %c0_i32_0 = arith.constant 0 : i32
    %c0_i32_1 = arith.constant 0 : i32
    return %c0_i32, %c0_i32_0 : i32, i32
  }
  func.func @transform_7(%arg0: i32) -> (i32, i32) {
    %c0_i32 = arith.constant 0 : i32
    %c0_i32_0 = arith.constant 0 : i32
    %c0_i32_1 = arith.constant 0 : i32
    return %c0_i32, %c0_i32_0 : i32, i32
  }
  func.func @transform_8(%arg0: i32) -> (i32, i32) {
    %c0_i32 = arith.constant 0 : i32
    %c0_i32_0 = arith.constant 0 : i32
    return %arg0, %c0_i32 : i32, i32
  }
}

</mosaic_0001>

<sc_bundles>
// kernel: kernel.6.cloned.1.call-start
scs
__scs_entry_jumppad:
0x0: {  	(pc) =	sbr.rel $0x88, $3  }
0x1: {  	(tag) =	ssettag $0x0;
	lr =	simm.s32 $0x1  }
0x2: {  	[smem:$0x3F99] =	sst lr;
	_ =	strace $0xD0000000  }
0x3: {  	_ = 	snop  }
0x4: {  	_ = 	snop  }
0x5: {  	_ = 	snop  }
0x6: {  	_ = 	snop  }
0x7: {  	_ = 	snop  }
__scs_overlays_trampoline_lowered:
0x8: {  	[smem:$0x3FA8] =	sst s0  }
0x9: {  	[smem:$0x3FA9] =	sst s1  }
0xa: {  	[smem:$0x3FAA] =	sst s2  }
0xb: {  	[smem:$0x3FAB] =	sst s3  }
0xc: {  	[smem:$0x3FAC] =	sst s4  }
0xd: {  	[smem:$0x3FAD] =	sst s5  }
0xe: {  	[smem:$0x3FAE] =	sst s6  }
0xf: {  	[smem:$0x3FAF] =	sst s7  }
0x10: {  	[smem:$0x3FB0] =	sst s8  }
0x11: {  	[smem:$0x3FB1] =	sst s9;
	s0 =	simm.s32 @!p0 $0x0  }
0x12: {  	s1 =	sld [smem:$0x3F97];
	s0 =	simm.s32 @p0 $0x1  }
0x13: {  	[smem:$0x3FB2] =	sst s0;
	s0 =	simm.s32 @!p1 $0x0  }
0x14: {  	s2 =	sld [smem:$0x3F96];
	s0 =	simm.s32 @p1 $0x1  }
0x15: {  	[smem:$0x3FB3] =	sst s0;
	s0 =	simm.s32 @!p2 $0x0  }
0x16: {  	s3 =	sld [smem:$0x3FDB];
	s0 =	simm.s32 @p2 $0x1  }
0x17: {  	s4 =	simm.s32 $0x1BF5;
	[smem:$0x3FB5] =	sst s0  }
0x18: {  	s0 =	sld [smem:$0x3F98];
	_ =	swait.ge [sflag:s4], $0x0  }
0x19: {  	s7 =	sld [smem:$0x3F99]  }
0x1a: {  	s8 =	sadd.s32 $0xFFFFE003, lr  }
0x1b: {  	s9 =	sadd.s32 $0xFFFFFEF7, lr;
	s5 =	simm.s32 $0xFFFFFFFF;
	p2 =	slt.u32 s8, $0xFFFFF086  }
0x1c: {  	p1 =	slt.u32 s9, $0xF7A;
	s5 =	simm.s32 @!p2 $0x0  }
0x1d: {  	s5 =	simm.s32 @p1 $0x1;
	p0 =	seq.s32 s7, s2  }
0x1e: {  	s7 =	smul.u32 @!p0 $0xF7A, s2;
	p2 =	seq.s32 @!p0 s5, $0x0  }
0x1f: {  	s9 =	smul.u32 $0xF7A, s1;
	s8 =	simm.s32 @!p0 $0x1BF5;
	p2 =	por !p2, p0  }
0x20: {  	[sflag:s8] =	ssyncset.s32 @!p0 $0xFFFFF086;
	s6 =	sadd.s32 @!p0 s3, s7;
	s7 =	simm.s32 @!p0 $0x108  }
0x21: {  	s3 =	sadd.s32 s3, s9;
	s6 =	sadd.s32 @!p0 $0x88, s6;
	s7 =	simm.s32 @p2 $0x1082  }
0x22: {  	[simem:s7], [sflag:s8] =	dma.local @!p0 [hbm:s6], $0xF7A  }
0x23: {  	s9 =	sor.u32 $0xD0000000, s2;
	s6 =	simm.s32 $0x108;
	_ =	swait.ge @!p0 [sflag:s8], $0x0  }
0x24: {  	s3 =	sadd.s32 $0x88, s3;
	s6 =	simm.s32 @!p1 $0x1082;
	[sflag:s4] =	ssyncset.s32 $0xFFFFF086  }
0x25: {  	[simem:s6], [sflag:s4] =	dma.local [hbm:s3], $0xF7A  }
0x26: {  	[smem:$0x3F99] =	sst s1;
	(tag) =	ssettag s2;
	_ =	strace s9  }
0x27: {  	s1 =	sld [smem:$0x3FA9]  }
0x28: {  	s2 =	sld [smem:$0x3FAA]  }
0x29: {  	s4 =	sld [smem:$0x3FAC]  }
0x2a: {  	p0 =	seq.s32 s5, $0x0;
	s5 =	sld [smem:$0x3FAD]  }
0x2b: {  	s6 =	sld [smem:$0x3FAE]  }
0x2c: {  	s7 =	sld [smem:$0x3FAF]  }
0x2d: {  	s3 =	simm.s32 $0x108;
	s8 =	sld [smem:$0x3FB0]  }
0x2e: {  	s3 =	simm.s32 @!p0 $0x1082;
	s9 =	sld [smem:$0x3FB1]  }
0x2f: {  	lr =	sadd.s32 s0, s3;
	s0 =	sld [smem:$0x3FA8]  }
0x30: {  	s3 =	sld [smem:$0x3FAB]  }
0x31: {  	[smem:$0x3FB4] =	sst s10  }
0x32: {  	s10 =	sld [smem:$0x3FB2];
	_ =	sdelay $0x3  }
0x33: {  	p0 =	seq.s32 s10, $0x1;
	s10 =	sld [smem:$0x3FB4];
	_ =	sdelay $0x3  }
0x34: {  	[smem:$0x3FB4] =	sst s10  }
0x35: {  	s10 =	sld [smem:$0x3FB3];
	_ =	sdelay $0x3  }
0x36: {  	p1 =	seq.s32 s10, $0x1;
	s10 =	sld [smem:$0x3FB4];
	_ =	sdelay $0x3  }
0x37: {  	[smem:$0x3FB4] =	sst s10  }
0x38: {  	s10 =	sld [smem:$0x3FB5]  }
0x39: {  	_ = 	snop;
	(pc) =	sbr.ind lr, $3  }
0x3a: {  	_ = 	snop  }
0x3b: {  	_ = 	snop  }
0x3c: {  	p2 =	seq.s32 s10, $0x1;
	s10 =	sld [smem:$0x3FB4]  }
0x3d: {  	_ =	shalt  }
0x3e: {  	_ =	shalt  }
0x3f: {  	_ =	shalt  }
0x40: {  	_ =	shalt  }
0x41: {  	_ =	shalt  }
0x42: {  	_ =	shalt  }
0x43: {  	_ =	shalt  }
0x44: {  	_ =	shalt  }
0x45: {  	_ =	shalt  }
0x46: {  	_ =	shalt  }
0x47: {  	_ =	shalt  }
0x48: {  	_ =	shalt  }
0x49: {  	_ =	shalt  }
0x4a: {  	_ =	shalt  }
0x4b: {  	_ =	shalt  }
0x4c: {  	_ =	shalt  }
0x4d: {  	_ =	shalt  }
0x4e: {  	_ =	shalt  }
0x4f: {  	_ =	shalt  }
0x50: {  	_ =	shalt  }
0x51: {  	_ =	shalt  }
0x52: {  	_ =	shalt  }
0x53: {  	_ =	shalt  }
0x54: {  	_ =	shalt  }
0x55: {  	_ =	shalt  }
0x56: {  	_ =	shalt  }
0x57: {  	_ =	shalt  }
0x58: {  	_ =	shalt  }
0x59: {  	_ =	shalt  }
0x5a: {  	_ =	shalt  }
0x5b: {  	_ =	shalt  }
0x5c: {  	_ =	shalt  }
0x5d: {  	_ =	shalt  }
0x5e: {  	_ =	shalt  }
0x5f: {  	_ =	shalt  }
0x60: {  	_ =	shalt  }
0x61: {  	_ =	shalt  }
0x62: {  	_ =	shalt  }
0x63: {  	_ =	shalt  }
0x64: {  	_ =	shalt  }
0x65: {  	_ =	shalt  }
0x66: {  	_ =	shalt  }
0x67: {  	_ =	shalt  }
0x68: {  	_ =	shalt  }
0x69: {  	_ =	shalt  }
0x6a: {  	_ =	shalt  }
0x6b: {  	_ =	shalt  }
0x6c: {  	_ =	shalt  }
0x6d: {  	_ =	shalt  }
0x6e: {  	_ =	shalt  }
0x6f: {  	_ =	shalt  }
0x70: {  	_ =	shalt  }
0x71: {  	_ =	shalt  }
0x72: {  	_ =	shalt  }
0x73: {  	_ =	shalt  }
0x74: {  	_ =	shalt  }
0x75: {  	_ =	shalt  }
0x76: {  	_ =	shalt  }
0x77: {  	_ =	shalt  }
0x78: {  	_ =	shalt  }
0x79: {  	_ =	shalt  }
0x7a: {  	_ =	shalt  }
0x7b: {  	_ =	shalt  }
0x7c: {  	_ =	shalt  }
0x7d: {  	_ =	shalt  }
0x7e: {  	_ =	shalt  }
0x7f: {  	_ =	shalt  }
0x80: {  	_ =	shalt  }
0x81: {  	_ =	shalt  }
0x82: {  	_ =	shalt  }
0x83: {  	_ =	shalt  }
0x84: {  	_ =	shalt  }
0x85: {  	_ =	shalt  }
0x86: {  	_ =	shalt  }
0x87: {  	_ =	shalt  }
.Lfunc_end0:
.L_simem_size_0:
called_computation_lowered:
.L_overlay_start_0:
0x88: {  	s2 =	sld [smem:$0x3FD9]  }
0x89: {  	s3 =	sld [smem:$0x3FFE];
	_ =	sdelay $0x1  }
0x8a: {  	s1 =	srdreg.scid  }
0x8b: {  	s0 =	sand.u32 $0x1, s1  }
0x8c: {  	s16 =	sshll.u32 s0, $0xA;
	s2 =	sadd.s32 s3, s2  }
0x8d: {  	s2 =	sadd.s32 s2, s16  }
0x8e: {  	[smem:$0x3FC0] =	sst s2  }
0x8f: {  	_ = 	snop  }
0x90: {  	(tm) =	ssettm $0x1  }
0x91: {  	s17 =	sld [smem:$0x3FFB];
	_ =	sdelay $0x3  }
0x92: {  	_ =	strace s17  }
0x93: {  	s2 =	sld [smem:$0x3FFC];
	_ =	sdelay $0x3  }
0x94: {  	_ =	strace s2  }
0x95: {  	s2 =	sld [smem:$0x3FFD];
	_ =	sdelay $0x3  }
0x96: {  	_ =	strace s2  }
0x97: {  	_ =	strace $0x8FFFFFFF  }
0x98: {  	s18 =	sld [smem:$0x3FDB];
	_ =	sdelay $0x1  }
0x99: {  	s19 =	simm.s32 $_scs_section_size  }
0x9a: {  	s4 =	simm.s32 $_size__tile_overlayer_lowered;
	s5 =	simm.s32 $_tile_overlayer_lowered  }
0x9b: {  	s22 =	simm.s32 $0x1BFF;
	s21 =	sshll.u32 s5, $0x1;
	s2 =	sadd.s32 s19, s18  }
0x9c: {  	s6 =	simm.s32 $0x0;
	s20 =	sshll.u32 s4, $0x1;
	s4 =	sadd.s32 s21, s2  }
0x9d: {  	[timem:s6], [sflag:s22] =	dma.local [hbm:s4], s20  }
0x9e: {  	_ =	swait.ge [sflag:s22], s20  }
0x9f: {  	s3 =	ssub.s32 $0x0, s20;
	[sflag:s22] =	ssyncset.done $0x0  }
0xa0: {  	[sflag:s22] =	ssyncadd.s32 s3;
	_ =	sdelay $0x1  }
0xa1: {  	s23 =	simm.s32 $0x1B8B  }
0xa2: {  	_ =	swait.ge [sflag:s23], $0x1  }
0xa3: {  	[sflag:s23] =	ssyncset.done $0x0  }
0xa4: {  	s25 =	simm.s32 $0x1B8E;
	s24 =	sld [smem:$0x3FFE];
	[sflag:s23] =	ssyncadd.s32 $0xFFFFFFFF  }
0xa5: {  	s26 =	simm.s32 $execute0_lowered;
	[smem:$0x3FD2] =	sst s25  }
0xa6: {  	s4 =	sshll.u32 s26, $0x1;
	_ =	strace $0x80000046;
	[dreg:$0x1] =	wrdreg $0xFFFFFFFF  }
0xa7: {  	s28 =	simm.s32 $_size_execute0_lowered;
	s2 =	sadd.s32 s2, s4;
	[dreg:$0x0] =	wrdreg $0x0  }
0xa8: {  	s4 =	sshll.u32 s28, $0x1;
	[dreg:$0x2] =	wrdreg s2  }
0xa9: {  	[dreg:$0x3] =	wrdreg s4  }
0xaa: {  	[dreg:$0x4] =	wrdreg $0xC0  }
0xab: {  	_ =	task [dreg:s6], $0x5FFFF  }
0xac: {  	[dreg:$0x1] =	wrdreg $0xFFFFFFFF  }
0xad: {  	[dreg:$0x0] =	wrdreg $0x60  }
0xae: {  	[dreg:$0x2] =	wrdreg s24  }
0xaf: {  	[dreg:$0x3] =	wrdreg $0x68000  }
0xb0: {  	[dreg:$0x4] =	wrdreg $0x9  }
0xb1: {  	_ =	task.clear_ibuf [dreg:s6], $0x5FFFF;
	_ =	strace $0x90000046  }
0xb2: {  	s29 =	simm.s32 $0x9;
	_ =	strace $0x80000048  }
0xb3: {  	_ =	swait.ge [sflag:s29], $0x1  }
0xb4: {  	[sflag:s29] =	ssyncadd.s32 $0xFFFFFFFF  }
0xb5: {  	_ =	strace $0x90000048  }
0xb6: {  	_ =	sfence  }
0xb7: {  	s30 =	sld [smem:$0x0];
	_ =	sdelay $0x2  }
0xb8: {  	s31 =	sshll.u32 s1, $0xD;
	s1 =	sshrl.u32 s1, $0x2  }
0xb9: {  	s3 =	sand.u32 $0x4000, s31;
	s1 =	sadd.s32 s1, s30  }
0xba: {  	s0 =	sor.u32 s3, s0;
	s1 =	sshll.u32 s1, $0x11  }
0xbb: {  	s0 =	sor.u32 s1, s0  }
0xbc: {  	s0 =	sadd.s32 $0x8F2B, s0  }
0xbd: {  	[sflag:s0] =	ssyncadd.remote.s32 $0x1  }
0xbe: {  	_ =	sfence.sel $0xFFFF  }
0xbf: {  	[dreg:$0x0] =	wrdreg $0xFFFFFFFF;
	(pc) =	sbr.abs _section_cstart, $3  }
0xc0: {  	[dreg:$0x1] =	wrdreg $0xFFFFFFFF  }
0xc1: {  	_ =	task.clear_ibuf [dreg:s6], $0x2FFFF;
	_ =	strace $0x9FFFFFFF  }
0xc2: {  	(tm) =	ssettm $0x7FFFFFFF  }
0xc3: {  	_ =	shalt  }
tec
execute0_lowered:
.L_overlay_start_1:
0x0: {  	(tag) =	ssettag $0x1  }
0x1: {  	s1 =	srdreg.scid  }
0x2: {  	s0 =	stileid.u32;
	s4 =	rddreg [dreg:$0x0]  }
0x3: {  	s2 =	rddreg [dreg:$0x1];
	s3 =	simm.s32 $0x0;
	s18 =	simm.s32 $0x80  }
0x4: {  	s19 =	simm.s32 $0x0;
	s5 =	sand.u32 $0x1, s1;
	s1 =	rddreg [dreg:$0x2]  }
0x5: {  	s29 =	sshll.u32 s0, $0x1;
	[smem:$0x7FF] =	sst s3;
	s7 =	smul.u32 $0x50000, s0  }
0x6: {  	s10 =	smul.u32 $0x14000, s0;
	s14 =	sadd.s32 $0xBC00, s4;
	s6 =	sor.u32 s5, s29  }
0x7: {  	_ =	strace $0x80000047;
	s30 =	ssub.s32 $0x2, s5;
	s13 =	smul.u32 $0x140000, s5  }
0x8: {  	s6 =	smul.u32 $0x500, s6;
	s8 =	sshrl.u32 s30, $0x1;
	s7 =	sshrl.u32 s7, $0x2  }
0x9: {  	s11 =	sadd.s32 $0x4000, s10;
	s12 =	sadd.s32 $0x8000, s10;
	s16 =	sadd.s32 $0xC000, s10  }
0xa: {  	s17 =	sadd.s32 $0x10000, s10;
	s15 =	ssub.s32 s30, s8;
	s5 =	sadd.s32 s11, s2  }
0xb: {  	s10 =	sadd.s32 s10, s13;
	s8 =	sadd.s32 s17, s2;
	s11 =	sadd.s32 s13, s11  }
0xc: {  	s17 =	sadd.s32 s13, s17;
	s9 =	sadd.s32 s6, s4;
	s4 =	sadd.s32 s7, s2  }
0xd: {  	s6 =	sadd.s32 s12, s2;
	s7 =	sadd.s32 s16, s2;
	s10 =	sshrl.u32 s10, $0x3  }
0xe: {  	s11 =	sshrl.u32 s11, $0x3;
	s12 =	sadd.s32 s13, s12;
	s16 =	sadd.s32 s13, s16  }
0xf: {  	s31 =	sshrl.u32 s17, $0x3;
	s15 =	smax.u32 s15, $0x1;
	s17 =	simm.s32 $0x1  }
0x10: {  	s9 =	sadd.s32 $0x1C00, s9;
	s10 =	sadd.s32 s14, s10;
	s12 =	sshrl.u32 s12, $0x3  }
0x11: {  	s11 =	sadd.s32 s14, s11;
	s16 =	sshrl.u32 s16, $0x3;
	s12 =	sadd.s32 s14, s12  }
0x12: {  	v0 =	vimm.f32 $0.0e+00;
	v1 =	vimm.f32 $1.000000000e+00;
	s13 =	sadd.s32 s14, s16;
	s14 =	sadd.s32 s14, s31;
	s16 =	simm.s32 $0x2800  }
.LBB2_1:
0x13: {  	s20 =	simm.s32 $0x10;
	s21 =	sand.u32 $0x3FF0, s3  }
.LBB2_2:
0x14: {  	p0 =	sne.s32 s20, $0x3FF0;
	[tilespmem:s21+$0x2800] =	vst v0;
	s21 =	smov.u32 s20;
	s20 =	sadd.s32 $0x10, s20  }
.Ltmp0:
0x15: {  	(pc) =	sbr.rel @p0 .LBB2_2-.Ltmp0, $2  }
0x16: {  	_ =	sdelay $0x2  }
0x17: {  	s21 =	sand.u32 $0x3FF0, s21  }
0x18: {  	[tilespmem:s21+$0x2800] =	vst v0  }
0x19: {  	[spmem:s4] =	stream.linear.scatter [tilespmem:s16], [sflag:$0x1], $0x4000, $0x38;
	[tilespmem:$0x1A800] =	vst v63  }
0x1a: {  	_ =	swait.ge [sflag:s17], $0x4000  }
0x1b: {  	[sflag:s17] =	ssyncset.done $0x0  }
0x1c: {  	[sflag:s17] =	ssyncadd.s32 $0xFFFFC000  }
0x1d: {  	[spmem:s5] =	stream.linear.scatter [tilespmem:s16], [sflag:$0x1], $0x4000, $0x38;
	[tilespmem:$0x1A800] =	vst v63  }
0x1e: {  	_ =	swait.ge [sflag:s17], $0x4000  }
0x1f: {  	[sflag:s17] =	ssyncset.done $0x0  }
0x20: {  	[sflag:s17] =	ssyncadd.s32 $0xFFFFC000  }
0x21: {  	[spmem:s6] =	stream.linear.scatter [tilespmem:s16], [sflag:$0x1], $0x4000, $0x38;
	[tilespmem:$0x1A800] =	vst v63  }
0x22: {  	_ =	swait.ge [sflag:s17], $0x4000  }
0x23: {  	[sflag:s17] =	ssyncset.done $0x0  }
0x24: {  	[sflag:s17] =	ssyncadd.s32 $0xFFFFC000  }
0x25: {  	[spmem:s7] =	stream.linear.scatter [tilespmem:s16], [sflag:$0x1], $0x4000, $0x38;
	[tilespmem:$0x1A800] =	vst v63  }
0x26: {  	_ =	swait.ge [sflag:s17], $0x4000  }
0x27: {  	[sflag:s17] =	ssyncset.done $0x0  }
0x28: {  	[sflag:s17] =	ssyncadd.s32 $0xFFFFC000  }
0x29: {  	[spmem:s8] =	stream.linear.scatter [tilespmem:s16], [sflag:$0x1], $0x4000, $0x38;
	[tilespmem:$0x1A800] =	vst v63  }
0x2a: {  	_ =	swait.ge [sflag:s17], $0x4000  }
0x2b: {  	s31 =	simm.s32 $0x0;
	[sflag:s17] =	ssyncset.done $0x0  }
0x2c: {  	s20 =	simm.s32 $0x10;
	s21 =	sand.u32 $0x3FF0, s31;
	[sflag:s17] =	ssyncadd.s32 $0xFFFFC000  }
.LBB2_4:
0x2d: {  	p0 =	sne.s32 s20, $0x3FF0;
	[tilespmem:s21+$0x2800] =	vst v1;
	s21 =	smov.u32 s20;
	s20 =	sadd.s32 $0x10, s20  }
.Ltmp1:
0x2e: {  	(pc) =	sbr.rel @p0 .LBB2_4-.Ltmp1, $2  }
0x2f: {  	_ =	sdelay $0x2  }
0x30: {  	s21 =	sand.u32 $0x3FF0, s21  }
0x31: {  	[tilespmem:s21+$0x2800] =	vst v1;
	s20 =	simm.s32 $0x0  }
0x32: {  	[tilespmem:s20], [sflag:$0x1] =	stream.linear.gather [hbm4b:s9+s20], $0x2800, $0x38;
	[tilespmem:$0x1A800] =	vst v63  }
0x33: {  	_ =	swait.ge [sflag:s17], $0x2800  }
0x34: {  	[sflag:s17] =	ssyncset.done $0x0  }
0x35: {  	[sflag:s17] =	ssyncadd.s32 $0xFFFFD800  }
0x36: {  	s31 =	simm.s32 $0x0;
	[bflag:$0x0] =	sbarrier.arrive $0xFFFF  }
0x37: {  	[spmem:s2] =	stream.indirect.scatter.add.f32 [tilespmem:s16], [sflag:$0x1], $0x80, s31, s18, $0xb8;
	[tilespmem:$0x1A800] =	vst v63  }
0x38: {  	_ =	swait.ge [sflag:s17], $0x4000  }
0x39: {  	s20 =	simm.s32 $0x200;
	[sflag:s17] =	ssyncset.done $0x0  }
.LBB2_6:
0x3a: {  	s21 =	sshra.s32 s20, $0x2;
	[sflag:s17] =	ssyncadd.s32 $0xFFFFC000;
	p0 =	sne.s32 s20, $0x9E00  }
0x3b: {  	[spmem:s2] =	stream.indirect.scatter.add.f32 [tilespmem:s16], [sflag:$0x1], $0x80, s21, s18, $0xb8;
	[tilespmem:$0x1A800] =	vst v63  }
.Ltmp2:
0x3c: {  	_ = 	snop;
	(pc) =	sbr.rel @p0 .LBB2_6-.Ltmp2, $4  }
0x3d: {  	_ = 	snop  }
0x3e: {  	s20 =	sadd.s32 $0x200, s20  }
0x3f: {  	_ =	swait.ge [sflag:s17], $0x4000  }
0x40: {  	[sflag:s17] =	ssyncset.done $0x0  }
0x41: {  	[sflag:s17] =	ssyncadd.s32 $0xFFFFC000  }
0x42: {  	[bflag:$0x0] =	sbarrier.arrive $0xFFFF  }
0x43: {  	[tilespmem:s16], [sflag:$0x1] =	stream.linear.gather [spmem:s4], $0x4000, $0x38;
	[tilespmem:$0x1A800] =	vst v63  }
0x44: {  	_ =	swait.ge [sflag:s17], $0x4000  }
0x45: {  	[sflag:s17] =	ssyncset.done $0x0  }
0x46: {  	[sflag:s17] =	ssyncadd.s32 $0xFFFFC000  }
0x47: {  	[hbm4b:s10+s3] =	stream.linear.scatter [tilespmem:s16], [sflag:$0x1], $0x4000, $0x38;
	[tilespmem:$0x1A800] =	vst v63  }
0x48: {  	_ =	swait.ge [sflag:s17], $0x4000  }
0x49: {  	[sflag:s17] =	ssyncset.done $0x0  }
0x4a: {  	[sflag:s17] =	ssyncadd.s32 $0xFFFFC000  }
0x4b: {  	[tilespmem:s16], [sflag:$0x1] =	stream.linear.gather [spmem:s5], $0x4000, $0x38;
	[tilespmem:$0x1A800] =	vst v63  }
0x4c: {  	_ =	swait.ge [sflag:s17], $0x4000  }
0x4d: {  	[sflag:s17] =	ssyncset.done $0x0  }
0x4e: {  	[sflag:s17] =	ssyncadd.s32 $0xFFFFC000  }
0x4f: {  	[hbm4b:s11+s3] =	stream.linear.scatter [tilespmem:s16], [sflag:$0x1], $0x4000, $0x38;
	[tilespmem:$0x1A800] =	vst v63  }
0x50: {  	_ =	swait.ge [sflag:s17], $0x4000  }
0x51: {  	[sflag:s17] =	ssyncset.done $0x0  }
0x52: {  	[sflag:s17] =	ssyncadd.s32 $0xFFFFC000  }
0x53: {  	[tilespmem:s16], [sflag:$0x1] =	stream.linear.gather [spmem:s6], $0x4000, $0x38;
	[tilespmem:$0x1A800] =	vst v63  }
0x54: {  	_ =	swait.ge [sflag:s17], $0x4000  }
0x55: {  	[sflag:s17] =	ssyncset.done $0x0  }
0x56: {  	[sflag:s17] =	ssyncadd.s32 $0xFFFFC000  }
0x57: {  	[hbm4b:s12+s3] =	stream.linear.scatter [tilespmem:s16], [sflag:$0x1], $0x4000, $0x38;
	[tilespmem:$0x1A800] =	vst v63  }
0x58: {  	_ =	swait.ge [sflag:s17], $0x4000  }
0x59: {  	[sflag:s17] =	ssyncset.done $0x0  }
0x5a: {  	[sflag:s17] =	ssyncadd.s32 $0xFFFFC000  }
0x5b: {  	[tilespmem:s16], [sflag:$0x1] =	stream.linear.gather [spmem:s7], $0x4000, $0x38;
	[tilespmem:$0x1A800] =	vst v63  }
0x5c: {  	_ =	swait.ge [sflag:s17], $0x4000  }
0x5d: {  	[sflag:s17] =	ssyncset.done $0x0  }
0x5e: {  	[sflag:s17] =	ssyncadd.s32 $0xFFFFC000  }
0x5f: {  	[hbm4b:s13+s3] =	stream.linear.scatter [tilespmem:s16], [sflag:$0x1], $0x4000, $0x38;
	[tilespmem:$0x1A800] =	vst v63  }
0x60: {  	_ =	swait.ge [sflag:s17], $0x4000  }
0x61: {  	[sflag:s17] =	ssyncset.done $0x0  }
0x62: {  	[sflag:s17] =	ssyncadd.s32 $0xFFFFC000  }
0x63: {  	[tilespmem:s16], [sflag:$0x1] =	stream.linear.gather [spmem:s8], $0x4000, $0x38;
	[tilespmem:$0x1A800] =	vst v63  }
0x64: {  	s19 =	sadd.s32 $0x1, s19;
	_ =	swait.ge [sflag:s17], $0x4000  }
0x65: {  	p0 =	sne.s32 s19, s15;
	[sflag:s17] =	ssyncset.done $0x0  }
.Ltmp3:
0x66: {  	[sflag:s17] =	ssyncadd.s32 $0xFFFFC000;
	(pc) =	sbr.rel @p0 .LBB2_1-.Ltmp3, $4  }
0x67: {  	[hbm4b:s14+s3] =	stream.linear.scatter [tilespmem:s16], [sflag:$0x1], $0x4000, $0x38;
	[tilespmem:$0x1A800] =	vst v63  }
0x68: {  	_ =	swait.ge [sflag:s17], $0x4000  }
0x69: {  	[sflag:s17] =	ssyncset.done $0x0  }
0x6a: {  	[sflag:s17] =	ssyncadd.s32 $0xFFFFC000  }
0x6b: {  	_ =	sfence.sel $0x180000  }
0x6c: {  	[bflag:$0x0] =	sbarrier.arrive $0xFFFF  }
0x6d: {  	p0 =	sne.s32 s0, $0x0;
	_ =	strace $0x90000047  }
0x6e: {  	s0 =	sadd.s32 @!p0 $0x100000, s1;
	[bflag:$0x2] =	sbarrier.arrive $0xFFFF  }
0x6f: {  	[sflag:s0] =	ssyncadd.tile.s32 @!p0 $0x1;
	_ =	shalt  }
.Lfunc_end2:
_tile_overlayer_lowered:
.L_overlay_start_2:
0x70: {  	(tag) =	ssettag $0x2  }
0x71: {  	s0 =	rddreg [dreg:$0x0];
	s2 =	stileid.u32  }
0x72: {  	s1 =	rddreg [dreg:$0x1];
	p0 =	sne.s32 s2, $0x0  }
0x73: {  	s3 =	rddreg [dreg:$0x2];
	[bflag:$0x3] =	sbarrier.arrive $0xFFFF;
	s2 =	simm.s32 @!p0 $0x1C01  }
0x74: {  	[timem:s3], [sflag:s2] =	dma.local @!p0 [hbm:s0], s1  }
0x75: {  	s0 =	simm.s32 @!p0 $0x1  }
0x76: {  	_ =	swait.ge @!p0 [sflag:s0], s1  }
0x77: {  	s1 =	ssub.s32 @!p0 $0x0, s1;
	[sflag:s0] =	ssyncset.done @!p0 $0x0  }
0x78: {  	[sflag:s0] =	ssyncadd.s32 @!p0 s1  }
0x79: {  	[bflag:$0x3] =	sbarrier.arrive $0xFFFF  }
0x7a: {  	_ =	shalt  }

// kernel: kernel.9.cloned.1.call-start
scs
__scs_entry_jumppad:
0x0: {  	(pc) =	sbr.rel $0x88, $3  }
0x1: {  	(tag) =	ssettag $0x0;
	lr =	simm.s32 $0x1  }
0x2: {  	[smem:$0x3F99] =	sst lr;
	_ =	strace $0xD0000000  }
0x3: {  	_ = 	snop  }
0x4: {  	_ = 	snop  }
0x5: {  	_ = 	snop  }
0x6: {  	_ = 	snop  }
0x7: {  	_ = 	snop  }
__scs_overlays_trampoline_lowered:
0x8: {  	[smem:$0x3FA8] =	sst s0  }
0x9: {  	[smem:$0x3FA9] =	sst s1  }
0xa: {  	[smem:$0x3FAA] =	sst s2  }
0xb: {  	[smem:$0x3FAB] =	sst s3  }
0xc: {  	[smem:$0x3FAC] =	sst s4  }
0xd: {  	[smem:$0x3FAD] =	sst s5  }
0xe: {  	[smem:$0x3FAE] =	sst s6  }
0xf: {  	[smem:$0x3FAF] =	sst s7  }
0x10: {  	[smem:$0x3FB0] =	sst s8  }
0x11: {  	[smem:$0x3FB1] =	sst s9;
	s0 =	simm.s32 @!p0 $0x0  }
0x12: {  	s1 =	sld [smem:$0x3F97];
	s0 =	simm.s32 @p0 $0x1  }
0x13: {  	[smem:$0x3FB2] =	sst s0;
	s0 =	simm.s32 @!p1 $0x0  }
0x14: {  	s2 =	sld [smem:$0x3F96];
	s0 =	simm.s32 @p1 $0x1  }
0x15: {  	[smem:$0x3FB3] =	sst s0;
	s0 =	simm.s32 @!p2 $0x0  }
0x16: {  	s3 =	sld [smem:$0x3FDB];
	s0 =	simm.s32 @p2 $0x1  }
0x17: {  	s4 =	simm.s32 $0x1BF5;
	[smem:$0x3FB5] =	sst s0  }
0x18: {  	s0 =	sld [smem:$0x3F98];
	_ =	swait.ge [sflag:s4], $0x0  }
0x19: {  	s7 =	sld [smem:$0x3F99]  }
0x1a: {  	s8 =	sadd.s32 $0xFFFFE003, lr  }
0x1b: {  	s9 =	sadd.s32 $0xFFFFFEF7, lr;
	s5 =	simm.s32 $0xFFFFFFFF;
	p2 =	slt.u32 s8, $0xFFFFF086  }
0x1c: {  	p1 =	slt.u32 s9, $0xF7A;
	s5 =	simm.s32 @!p2 $0x0  }
0x1d: {  	s5 =	simm.s32 @p1 $0x1;
	p0 =	seq.s32 s7, s2  }
0x1e: {  	s7 =	smul.u32 @!p0 $0xF7A, s2;
	p2 =	seq.s32 @!p0 s5, $0x0  }
0x1f: {  	s9 =	smul.u32 $0xF7A, s1;
	s8 =	simm.s32 @!p0 $0x1BF5;
	p2 =	por !p2, p0  }
0x20: {  	[sflag:s8] =	ssyncset.s32 @!p0 $0xFFFFF086;
	s6 =	sadd.s32 @!p0 s3, s7;
	s7 =	simm.s32 @!p0 $0x108  }
0x21: {  	s3 =	sadd.s32 s3, s9;
	s6 =	sadd.s32 @!p0 $0x88, s6;
	s7 =	simm.s32 @p2 $0x1082  }
0x22: {  	[simem:s7], [sflag:s8] =	dma.local @!p0 [hbm:s6], $0xF7A  }
0x23: {  	s9 =	sor.u32 $0xD0000000, s2;
	s6 =	simm.s32 $0x108;
	_ =	swait.ge @!p0 [sflag:s8], $0x0  }
0x24: {  	s3 =	sadd.s32 $0x88, s3;
	s6 =	simm.s32 @!p1 $0x1082;
	[sflag:s4] =	ssyncset.s32 $0xFFFFF086  }
0x25: {  	[simem:s6], [sflag:s4] =	dma.local [hbm:s3], $0xF7A  }
0x26: {  	[smem:$0x3F99] =	sst s1;
	(tag) =	ssettag s2;
	_ =	strace s9  }
0x27: {  	s1 =	sld [smem:$0x3FA9]  }
0x28: {  	s2 =	sld [smem:$0x3FAA]  }
0x29: {  	s4 =	sld [smem:$0x3FAC]  }
0x2a: {  	p0 =	seq.s32 s5, $0x0;
	s5 =	sld [smem:$0x3FAD]  }
0x2b: {  	s6 =	sld [smem:$0x3FAE]  }
0x2c: {  	s7 =	sld [smem:$0x3FAF]  }
0x2d: {  	s3 =	simm.s32 $0x108;
	s8 =	sld [smem:$0x3FB0]  }
0x2e: {  	s3 =	simm.s32 @!p0 $0x1082;
	s9 =	sld [smem:$0x3FB1]  }
0x2f: {  	lr =	sadd.s32 s0, s3;
	s0 =	sld [smem:$0x3FA8]  }
0x30: {  	s3 =	sld [smem:$0x3FAB]  }
0x31: {  	[smem:$0x3FB4] =	sst s10  }
0x32: {  	s10 =	sld [smem:$0x3FB2];
	_ =	sdelay $0x3  }
0x33: {  	p0 =	seq.s32 s10, $0x1;
	s10 =	sld [smem:$0x3FB4];
	_ =	sdelay $0x3  }
0x34: {  	[smem:$0x3FB4] =	sst s10  }
0x35: {  	s10 =	sld [smem:$0x3FB3];
	_ =	sdelay $0x3  }
0x36: {  	p1 =	seq.s32 s10, $0x1;
	s10 =	sld [smem:$0x3FB4];
	_ =	sdelay $0x3  }
0x37: {  	[smem:$0x3FB4] =	sst s10  }
0x38: {  	s10 =	sld [smem:$0x3FB5]  }
0x39: {  	_ = 	snop;
	(pc) =	sbr.ind lr, $3  }
0x3a: {  	_ = 	snop  }
0x3b: {  	_ = 	snop  }
0x3c: {  	p2 =	seq.s32 s10, $0x1;
	s10 =	sld [smem:$0x3FB4]  }
0x3d: {  	_ =	shalt  }
0x3e: {  	_ =	shalt  }
0x3f: {  	_ =	shalt  }
0x40: {  	_ =	shalt  }
0x41: {  	_ =	shalt  }
0x42: {  	_ =	shalt  }
0x43: {  	_ =	shalt  }
0x44: {  	_ =	shalt  }
0x45: {  	_ =	shalt  }
0x46: {  	_ =	shalt  }
0x47: {  	_ =	shalt  }
0x48: {  	_ =	shalt  }
0x49: {  	_ =	shalt  }
0x4a: {  	_ =	shalt  }
0x4b: {  	_ =	shalt  }
0x4c: {  	_ =	shalt  }
0x4d: {  	_ =	shalt  }
0x4e: {  	_ =	shalt  }
0x4f: {  	_ =	shalt  }
0x50: {  	_ =	shalt  }
0x51: {  	_ =	shalt  }
0x52: {  	_ =	shalt  }
0x53: {  	_ =	shalt  }
0x54: {  	_ =	shalt  }
0x55: {  	_ =	shalt  }
0x56: {  	_ =	shalt  }
0x57: {  	_ =	shalt  }
0x58: {  	_ =	shalt  }
0x59: {  	_ =	shalt  }
0x5a: {  	_ =	shalt  }
0x5b: {  	_ =	shalt  }
0x5c: {  	_ =	shalt  }
0x5d: {  	_ =	shalt  }
0x5e: {  	_ =	shalt  }
0x5f: {  	_ =	shalt  }
0x60: {  	_ =	shalt  }
0x61: {  	_ =	shalt  }
0x62: {  	_ =	shalt  }
0x63: {  	_ =	shalt  }
0x64: {  	_ =	shalt  }
0x65: {  	_ =	shalt  }
0x66: {  	_ =	shalt  }
0x67: {  	_ =	shalt  }
0x68: {  	_ =	shalt  }
0x69: {  	_ =	shalt  }
0x6a: {  	_ =	shalt  }
0x6b: {  	_ =	shalt  }
0x6c: {  	_ =	shalt  }
0x6d: {  	_ =	shalt  }
0x6e: {  	_ =	shalt  }
0x6f: {  	_ =	shalt  }
0x70: {  	_ =	shalt  }
0x71: {  	_ =	shalt  }
0x72: {  	_ =	shalt  }
0x73: {  	_ =	shalt  }
0x74: {  	_ =	shalt  }
0x75: {  	_ =	shalt  }
0x76: {  	_ =	shalt  }
0x77: {  	_ =	shalt  }
0x78: {  	_ =	shalt  }
0x79: {  	_ =	shalt  }
0x7a: {  	_ =	shalt  }
0x7b: {  	_ =	shalt  }
0x7c: {  	_ =	shalt  }
0x7d: {  	_ =	shalt  }
0x7e: {  	_ =	shalt  }
0x7f: {  	_ =	shalt  }
0x80: {  	_ =	shalt  }
0x81: {  	_ =	shalt  }
0x82: {  	_ =	shalt  }
0x83: {  	_ =	shalt  }
0x84: {  	_ =	shalt  }
0x85: {  	_ =	shalt  }
0x86: {  	_ =	shalt  }
0x87: {  	_ =	shalt  }
.Lfunc_end0:
.L_simem_size_0:
called_computation.1_lowered:
.L_overlay_start_0:
0x88: {  	s2 =	sld [smem:$0x3FD9]  }
0x89: {  	s3 =	sld [smem:$0x3FFE];
	_ =	sdelay $0x1  }
0x8a: {  	s1 =	srdreg.scid  }
0x8b: {  	s0 =	sand.u32 $0x1, s1  }
0x8c: {  	s17 =	sshll.u32 s0, $0xA;
	s2 =	sadd.s32 s3, s2  }
0x8d: {  	s2 =	sadd.s32 s2, s17  }
0x8e: {  	[smem:$0x3FC0] =	sst s2  }
0x8f: {  	_ = 	snop  }
0x90: {  	s2 =	sld [smem:$0x3FD0];
	(tm) =	ssettm $0x1  }
0x91: {  	s18 =	sld [smem:$0x3FFB];
	_ =	sdelay $0x3  }
0x92: {  	_ =	strace s18  }
0x93: {  	s3 =	sld [smem:$0x3FFC];
	_ =	sdelay $0x3  }
0x94: {  	_ =	strace s3  }
0x95: {  	s3 =	sld [smem:$0x3FFD];
	_ =	sdelay $0x3  }
0x96: {  	_ =	strace s3  }
0x97: {  	_ =	strace $0x8FFFFFFF  }
0x98: {  	s19 =	sld [smem:$0x3FDB];
	_ =	sdelay $0x1  }
0x99: {  	s4 =	simm.s32 $_scs_section_size  }
0x9a: {  	s5 =	simm.s32 $_size__tile_overlayer_lowered;
	s6 =	simm.s32 $_tile_overlayer_lowered  }
0x9b: {  	s22 =	simm.s32 $0x1BFF;
	s21 =	sshll.u32 s6, $0x1;
	s3 =	sadd.s32 s4, s19  }
0x9c: {  	s7 =	simm.s32 $0x0;
	s20 =	sshll.u32 s5, $0x1;
	s5 =	sadd.s32 s21, s3  }
0x9d: {  	[timem:s7], [sflag:s22] =	dma.local [hbm:s5], s20  }
0x9e: {  	_ =	swait.ge [sflag:s22], s20  }
0x9f: {  	s4 =	ssub.s32 $0x0, s20;
	[sflag:s22] =	ssyncset.done $0x0  }
0xa0: {  	[sflag:s22] =	ssyncadd.s32 s4;
	_ =	sdelay $0x1  }
0xa1: {  	s23 =	simm.s32 $0x1B8B  }
0xa2: {  	_ =	swait.ge [sflag:s23], $0x1  }
0xa3: {  	[sflag:s23] =	ssyncset.done $0x0  }
0xa4: {  	s25 =	simm.s32 $0x1B8E;
	s24 =	sld [smem:$0x3FFE];
	[sflag:s23] =	ssyncadd.s32 $0xFFFFFFFF  }
0xa5: {  	s26 =	simm.s32 $execute0_lowered;
	[smem:$0x3FD2] =	sst s25  }
0xa6: {  	s5 =	sshll.u32 s26, $0x1;
	_ =	strace $0x80000049;
	[dreg:$0x1] =	wrdreg $0xFFFFFFFF  }
0xa7: {  	s28 =	simm.s32 $_size_execute0_lowered;
	s3 =	sadd.s32 s3, s5;
	[dreg:$0x0] =	wrdreg $0x0  }
0xa8: {  	s5 =	sshll.u32 s28, $0x1;
	[dreg:$0x2] =	wrdreg s3  }
0xa9: {  	[dreg:$0x3] =	wrdreg s5  }
0xaa: {  	[dreg:$0x4] =	wrdreg $0xC0  }
0xab: {  	_ =	task [dreg:s7], $0x5FFFF  }
0xac: {  	[dreg:$0x1] =	wrdreg $0xFFFFFFFF  }
0xad: {  	[dreg:$0x0] =	wrdreg $0x60  }
0xae: {  	[dreg:$0x2] =	wrdreg s24  }
0xaf: {  	[dreg:$0x3] =	wrdreg s2  }
0xb0: {  	[dreg:$0x4] =	wrdreg $0xA8000  }
0xb1: {  	[dreg:$0x5] =	wrdreg $0x9  }
0xb2: {  	_ =	task.clear_ibuf [dreg:s7], $0x6FFFF;
	_ =	strace $0x90000049  }
0xb3: {  	s29 =	simm.s32 $0x9;
	_ =	strace $0x8000004B  }
0xb4: {  	_ =	swait.ge [sflag:s29], $0x1  }
0xb5: {  	[sflag:s29] =	ssyncadd.s32 $0xFFFFFFFF  }
0xb6: {  	_ =	strace $0x9000004B  }
0xb7: {  	_ =	sfence  }
0xb8: {  	s30 =	sld [smem:$0x0];
	_ =	sdelay $0x2  }
0xb9: {  	s31 =	sshll.u32 s1, $0xD;
	s1 =	sshrl.u32 s1, $0x2  }
0xba: {  	s3 =	sand.u32 $0x4000, s31;
	s1 =	sadd.s32 s1, s30  }
0xbb: {  	s0 =	sor.u32 s3, s0;
	s1 =	sshll.u32 s1, $0x11  }
0xbc: {  	s0 =	sor.u32 s1, s0  }
0xbd: {  	s0 =	sadd.s32 $0x8F2B, s0  }
0xbe: {  	[sflag:s0] =	ssyncadd.remote.s32 $0x1  }
0xbf: {  	_ =	sfence.sel $0xFFFF  }
0xc0: {  	[dreg:$0x0] =	wrdreg $0xFFFFFFFF;
	(pc) =	sbr.abs _section_cstart, $3  }
0xc1: {  	[dreg:$0x1] =	wrdreg $0xFFFFFFFF  }
0xc2: {  	_ =	task.clear_ibuf [dreg:s7], $0x2FFFF;
	_ =	strace $0x9FFFFFFF  }
0xc3: {  	(tm) =	ssettm $0x7FFFFFFF  }
tec
execute0_lowered:
.L_overlay_start_1:
0x0: {  	(tag) =	ssettag $0x1  }
0x1: {  	s0 =	rddreg [dreg:$0x0]  }
0x2: {  	s12 =	rddreg [dreg:$0x1]  }
0x3: {  	s1 =	rddreg [dreg:$0x2]  }
0x4: {  	s2 =	simm.s32 $0x0;
	s5 =	srdreg.scid;
	s3 =	stileid.u32  }
0x5: {  	s28 =	simm.s32 $0x50;
	s29 =	simm.s32 $0x1;
	s30 =	simm.s32 $0x0  }
0x6: {  	[smem:$0x7FF] =	sst s2;
	s4 =	sadd.s32 $0x6BC00, s0;
	s7 =	smul.u32 $0x50000, s3  }
0x7: {  	s11 =	sand.u32 $0x1, s5;
	s23 =	sshll.u32 s3, $0xC;
	s14 =	smul.u32 $0x14000, s3  }
0x8: {  	_ =	strace $0x8000004A;
	s6 =	sshll.u32 s11, $0xB;
	s24 =	ssub.s32 $0x2, s11  }
0x9: {  	s22 =	smul.u32 $0x140000, s11;
	s13 =	sor.u32 s6, s23;
	s25 =	sshrl.u32 s24, $0x1  }
0xa: {  	s26 =	sshrl.u32 s7, $0x2;
	s16 =	sor.u32 $0x2800, s14;
	s17 =	sadd.s32 $0x5000, s14  }
0xb: {  	s18 =	sadd.s32 $0x7800, s14;
	s19 =	sadd.s32 $0xA000, s14;
	s20 =	sadd.s32 $0xC800, s14  }
0xc: {  	s21 =	sadd.s32 $0xF000, s14;
	s15 =	sadd.s32 s13, s0;
	s0 =	sadd.s32 $0x93C00, s0  }
0xd: {  	s23 =	ssub.s32 s24, s25;
	s5 =	sadd.s32 s26, s1;
	s6 =	sadd.s32 s16, s1  }
0xe: {  	s7 =	sadd.s32 s17, s1;
	s8 =	sadd.s32 s18, s1;
	s9 =	sadd.s32 s19, s1  }
0xf: {  	s10 =	sadd.s32 s20, s1;
	s11 =	sadd.s32 s21, s1;
	s24 =	sadd.s32 $0x11800, s14  }
0x10: {  	s12 =	sadd.s32 s12, s13;
	s25 =	sadd.s32 s14, s22;
	s16 =	sadd.s32 s22, s16  }
0x11: {  	s17 =	sadd.s32 s22, s17;
	s18 =	sadd.s32 s22, s18;
	s19 =	sadd.s32 s22, s19  }
0x12: {  	s20 =	sadd.s32 s22, s20;
	s21 =	sadd.s32 s22, s21;
	s13 =	sadd.s32 s24, s1  }
0x13: {  	s14 =	sadd.s32 $0x5BC00, s15;
	s31 =	sshrl.u32 s25, $0x3;
	s16 =	sshrl.u32 s16, $0x3  }
0x14: {  	s17 =	sshrl.u32 s17, $0x3;
	s18 =	sshrl.u32 s18, $0x3;
	s19 =	sshrl.u32 s19, $0x3  }
0x15: {  	s20 =	sshrl.u32 s20, $0x3;
	s22 =	sadd.s32 s22, s24;
	s21 =	sshrl.u32 s21, $0x3  }
0x16: {  	s23 =	smax.u32 s23, $0x1;
	s24 =	simm.s32 $0x8000;
	s25 =	simm.s32 $0x2  }
0x17: {  	s15 =	sadd.s32 s0, s31;
	s16 =	sadd.s32 s0, s16;
	s17 =	sadd.s32 s0, s17  }
0x18: {  	s18 =	sadd.s32 s0, s18;
	s19 =	sadd.s32 s0, s19;
	s22 =	sshrl.u32 s22, $0x3  }
0x19: {  	v0 =	vimm.f32 $0.0e+00;
	s20 =	sadd.s32 s0, s20;
	s21 =	sadd.s32 s0, s21;
	s22 =	sadd.s32 s0, s22  }
.LBB2_1:
0x1a: {  	s31 =	simm.s32 $0x10;
	s0 =	sand.u32 $0x3FF0, s2  }
.LBB2_2:
0x1b: {  	p0 =	sne.s32 s31, $0x27F0;
	[tilespmem:s0+$0x8000] =	vst v0;
	s0 =	smov.u32 s31;
	s31 =	sadd.s32 $0x10, s31  }
.Ltmp0:
0x1c: {  	(pc) =	sbr.rel @p0 .LBB2_2-.Ltmp0, $2  }
0x1d: {  	_ =	sdelay $0x2  }
0x1e: {  	s0 =	sand.u32 $0x3FF0, s0  }
0x1f: {  	[tilespmem:s0+$0x8000] =	vst v0  }
0x20: {  	[spmem:s5] =	stream.linear.scatter [tilespmem:s24], [sflag:$0x2], $0x2800, $0x38;
	[tilespmem:$0x1E800] =	vst v63  }
0x21: {  	_ =	swait.ge [sflag:s25], $0x2800  }
0x22: {  	[sflag:s25] =	ssyncset.done $0x0  }
0x23: {  	[sflag:s25] =	ssyncadd.s32 $0xFFFFD800  }
0x24: {  	[spmem:s6] =	stream.linear.scatter [tilespmem:s24], [sflag:$0x2], $0x2800, $0x38;
	[tilespmem:$0x1E800] =	vst v63  }
0x25: {  	_ =	swait.ge [sflag:s25], $0x2800  }
0x26: {  	[sflag:s25] =	ssyncset.done $0x0  }
0x27: {  	[sflag:s25] =	ssyncadd.s32 $0xFFFFD800  }
0x28: {  	[spmem:s7] =	stream.linear.scatter [tilespmem:s24], [sflag:$0x2], $0x2800, $0x38;
	[tilespmem:$0x1E800] =	vst v63  }
0x29: {  	_ =	swait.ge [sflag:s25], $0x2800  }
0x2a: {  	[sflag:s25] =	ssyncset.done $0x0  }
0x2b: {  	[sflag:s25] =	ssyncadd.s32 $0xFFFFD800  }
0x2c: {  	[spmem:s8] =	stream.linear.scatter [tilespmem:s24], [sflag:$0x2], $0x2800, $0x38;
	[tilespmem:$0x1E800] =	vst v63  }
0x2d: {  	_ =	swait.ge [sflag:s25], $0x2800  }
0x2e: {  	[sflag:s25] =	ssyncset.done $0x0  }
0x2f: {  	[sflag:s25] =	ssyncadd.s32 $0xFFFFD800  }
0x30: {  	[spmem:s9] =	stream.linear.scatter [tilespmem:s24], [sflag:$0x2], $0x2800, $0x38;
	[tilespmem:$0x1E800] =	vst v63  }
0x31: {  	_ =	swait.ge [sflag:s25], $0x2800  }
0x32: {  	[sflag:s25] =	ssyncset.done $0x0  }
0x33: {  	[sflag:s25] =	ssyncadd.s32 $0xFFFFD800  }
0x34: {  	[spmem:s10] =	stream.linear.scatter [tilespmem:s24], [sflag:$0x2], $0x2800, $0x38;
	[tilespmem:$0x1E800] =	vst v63  }
0x35: {  	_ =	swait.ge [sflag:s25], $0x2800  }
0x36: {  	[sflag:s25] =	ssyncset.done $0x0  }
0x37: {  	[sflag:s25] =	ssyncadd.s32 $0xFFFFD800  }
0x38: {  	[spmem:s11] =	stream.linear.scatter [tilespmem:s24], [sflag:$0x2], $0x2800, $0x38;
	[tilespmem:$0x1E800] =	vst v63  }
0x39: {  	_ =	swait.ge [sflag:s25], $0x2800  }
0x3a: {  	[sflag:s25] =	ssyncset.done $0x0  }
0x3b: {  	[sflag:s25] =	ssyncadd.s32 $0xFFFFD800  }
0x3c: {  	[spmem:s13] =	stream.linear.scatter [tilespmem:s24], [sflag:$0x2], $0x2800, $0x38;
	[tilespmem:$0x1E800] =	vst v63  }
0x3d: {  	_ =	swait.ge [sflag:s25], $0x2800  }
0x3e: {  	[sflag:s25] =	ssyncset.done $0x0  }
0x3f: {  	s26 =	simm.s32 $0x0;
	[sflag:s25] =	ssyncadd.s32 $0xFFFFD800  }
0x40: {  	[tilespmem:s26], [sflag:$0x2] =	stream.linear.gather [hbm4b:s12+s26], $0x3E80, $0x38;
	[tilespmem:$0x1E800] =	vst v63  }
0x41: {  	_ =	swait.ge [sflag:s25], $0x3E80  }
0x42: {  	[sflag:s25] =	ssyncset.done $0x0  }
0x43: {  	s3 =	simm.s32 $0x4000;
	[sflag:s25] =	ssyncadd.s32 $0xFFFFC180  }
0x44: {  	[tilespmem:s3], [sflag:$0x2] =	stream.linear.gather [hbm4b:s14+s26], $0x3E80, $0x38;
	[tilespmem:$0x1E800] =	vst v63  }
0x45: {  	_ =	swait.ge [sflag:s25], $0x3E80  }
0x46: {  	[sflag:s25] =	ssyncset.done $0x0  }
0x47: {  	[sflag:s25] =	ssyncadd.s32 $0xFFFFC180  }
0x48: {  	s3 =	simm.s32 $0x0;
	[bflag:$0x0] =	sbarrier.arrive $0xFFFF  }
0x49: {  	[tilespmem:s24], [sflag:$0x1] =	stream.indirect.gather [hbm4b:s4+s28], $0x80, s3, s28, $0xb8;
	[tilespmem:$0x1E800] =	vst v63  }
0x4a: {  	_ =	swait.ge [sflag:s29], $0x2800  }
0x4b: {  	[sflag:s29] =	ssyncset.done $0x0  }
0x4c: {  	s26 =	simm.s32 $0x4000;
	[sflag:s29] =	ssyncadd.s32 $0xFFFFD800  }
0x4d: {  	[spmem:s1] =	stream.indirect.scatter.add.f32 [tilespmem:s24], [sflag:$0x2], $0x80, s26, s28, $0xb8;
	[tilespmem:$0x1E800] =	vst v63  }
0x4e: {  	_ =	swait.ge [sflag:s25], $0x2800  }
0x4f: {  	s31 =	simm.s32 $0x200;
	s0 =	simm.s32 $0x400;
	[sflag:s25] =	ssyncset.done $0x0  }
.LBB2_4:
0x50: {  	s3 =	sshra.s32 s31, $0x2  }
0x51: {  	[sflag:s25] =	ssyncadd.s32 $0xFFFFD800;
	s31 =	smov.u32 s0;
	s26 =	sadd.s32 $0x200, s0  }
0x52: {  	[tilespmem:s24], [sflag:$0x1] =	stream.indirect.gather [hbm4b:s4+s28], $0x80, s3, s28, $0xb8;
	[tilespmem:$0x1E800] =	vst v63  }
0x53: {  	p0 =	sne.s32 s0, $0xF800;
	_ =	swait.ge [sflag:s29], $0x2800  }
.Ltmp1:
0x54: {  	[sflag:s29] =	ssyncset.done $0x0;
	(pc) =	sbr.rel @p0 .LBB2_4-.Ltmp1, $4  }
0x55: {  	s0 =	sadd.s32 $0x4000, s3;
	[sflag:s29] =	ssyncadd.s32 $0xFFFFD800  }
0x56: {  	[spmem:s1] =	stream.indirect.scatter.add.f32 [tilespmem:s24], [sflag:$0x2], $0x80, s0, s28, $0xb8;
	[tilespmem:$0x1E800] =	vst v63  }
0x57: {  	_ =	swait.ge [sflag:s25], $0x2800  }
0x58: {  	s0 =	smov.u32 s26;
	[sflag:s25] =	ssyncset.done $0x0  }
0x59: {  	s0 =	sshra.s32 s31, $0x2;
	[sflag:s25] =	ssyncadd.s32 $0xFFFFD800  }
0x5a: {  	[tilespmem:s24], [sflag:$0x1] =	stream.indirect.gather [hbm4b:s4+s28], $0x80, s0, s28, $0xb8;
	[tilespmem:$0x1E800] =	vst v63  }
0x5b: {  	_ =	swait.ge [sflag:s29], $0x2800  }
0x5c: {  	[sflag:s29] =	ssyncset.done $0x0  }
0x5d: {  	s0 =	sadd.s32 $0x4000, s0;
	[sflag:s29] =	ssyncadd.s32 $0xFFFFD800  }
0x5e: {  	[spmem:s1] =	stream.indirect.scatter.add.f32 [tilespmem:s24], [sflag:$0x2], $0x80, s0, s28, $0xb8;
	[tilespmem:$0x1E800] =	vst v63  }
0x5f: {  	_ =	swait.ge [sflag:s25], $0x2800  }
0x60: {  	[sflag:s25] =	ssyncset.done $0x0  }
0x61: {  	[sflag:s25] =	ssyncadd.s32 $0xFFFFD800  }
0x62: {  	[bflag:$0x0] =	sbarrier.arrive $0xFFFF  }
0x63: {  	[tilespmem:s24], [sflag:$0x2] =	stream.linear.gather [spmem:s5], $0x2800, $0x38;
	[tilespmem:$0x1E800] =	vst v63  }
0x64: {  	_ =	swait.ge [sflag:s25], $0x2800  }
0x65: {  	[sflag:s25] =	ssyncset.done $0x0  }
0x66: {  	[sflag:s25] =	ssyncadd.s32 $0xFFFFD800  }
0x67: {  	[hbm4b:s15+s2] =	stream.linear.scatter [tilespmem:s24], [sflag:$0x2], $0x2800, $0x38;
	[tilespmem:$0x1E800] =	vst v63  }
0x68: {  	_ =	swait.ge [sflag:s25], $0x2800  }
0x69: {  	[sflag:s25] =	ssyncset.done $0x0  }
0x6a: {  	[sflag:s25] =	ssyncadd.s32 $0xFFFFD800  }
0x6b: {  	[tilespmem:s24], [sflag:$0x2] =	stream.linear.gather [spmem:s6], $0x2800, $0x38;
	[tilespmem:$0x1E800] =	vst v63  }
0x6c: {  	_ =	swait.ge [sflag:s25], $0x2800  }
0x6d: {  	[sflag:s25] =	ssyncset.done $0x0  }
0x6e: {  	[sflag:s25] =	ssyncadd.s32 $0xFFFFD800  }
0x6f: {  	[hbm4b:s16+s2] =	stream.linear.scatter [tilespmem:s24], [sflag:$0x2], $0x2800, $0x38;
	[tilespmem:$0x1E800] =	vst v63  }
0x70: {  	_ =	swait.ge [sflag:s25], $0x2800  }
0x71: {  	[sflag:s25] =	ssyncset.done $0x0  }
0x72: {  	[sflag:s25] =	ssyncadd.s32 $0xFFFFD800  }
0x73: {  	[tilespmem:s24], [sflag:$0x2] =	stream.linear.gather [spmem:s7], $0x2800, $0x38;
	[tilespmem:$0x1E800] =	vst v63  }
0x74: {  	_ =	swait.ge [sflag:s25], $0x2800  }
0x75: {  	[sflag:s25] =	ssyncset.done $0x0  }
0x76: {  	[sflag:s25] =	ssyncadd.s32 $0xFFFFD800  }
0x77: {  	[hbm4b:s17+s2] =	stream.linear.scatter [tilespmem:s24], [sflag:$0x2], $0x2800, $0x38;
	[tilespmem:$0x1E800] =	vst v63  }
0x78: {  	_ =	swait.ge [sflag:s25], $0x2800  }
0x79: {  	[sflag:s25] =	ssyncset.done $0x0  }
0x7a: {  	[sflag:s25] =	ssyncadd.s32 $0xFFFFD800  }
0x7b: {  	[tilespmem:s24], [sflag:$0x2] =	stream.linear.gather [spmem:s8], $0x2800, $0x38;
	[tilespmem:$0x1E800] =	vst v63  }
0x7c: {  	_ =	swait.ge [sflag:s25], $0x2800  }
0x7d: {  	[sflag:s25] =	ssyncset.done $0x0  }
0x7e: {  	[sflag:s25] =	ssyncadd.s32 $0xFFFFD800  }
0x7f: {  	[hbm4b:s18+s2] =	stream.linear.scatter [tilespmem:s24], [sflag:$0x2], $0x2800, $0x38;
	[tilespmem:$0x1E800] =	vst v63  }
0x80: {  	_ =	swait.ge [sflag:s25], $0x2800  }
0x81: {  	[sflag:s25] =	ssyncset.done $0x0  }
0x82: {  	[sflag:s25] =	ssyncadd.s32 $0xFFFFD800  }
0x83: {  	[tilespmem:s24], [sflag:$0x2] =	stream.linear.gather [spmem:s9], $0x2800, $0x38;
	[tilespmem:$0x1E800] =	vst v63  }
0x84: {  	_ =	swait.ge [sflag:s25], $0x2800  }
0x85: {  	[sflag:s25] =	ssyncset.done $0x0  }
0x86: {  	[sflag:s25] =	ssyncadd.s32 $0xFFFFD800  }
0x87: {  	[hbm4b:s19+s2] =	stream.linear.scatter [tilespmem:s24], [sflag:$0x2], $0x2800, $0x38;
	[tilespmem:$0x1E800] =	vst v63  }
0x88: {  	_ =	swait.ge [sflag:s25], $0x2800  }
0x89: {  	[sflag:s25] =	ssyncset.done $0x0  }
0x8a: {  	[sflag:s25] =	ssyncadd.s32 $0xFFFFD800  }
0x8b: {  	[tilespmem:s24], [sflag:$0x2] =	stream.linear.gather [spmem:s10], $0x2800, $0x38;
	[tilespmem:$0x1E800] =	vst v63  }
0x8c: {  	_ =	swait.ge [sflag:s25], $0x2800  }
0x8d: {  	[sflag:s25] =	ssyncset.done $0x0  }
0x8e: {  	[sflag:s25] =	ssyncadd.s32 $0xFFFFD800  }
0x8f: {  	[hbm4b:s20+s2] =	stream.linear.scatter [tilespmem:s24], [sflag:$0x2], $0x2800, $0x38;
	[tilespmem:$0x1E800] =	vst v63  }
0x90: {  	_ =	swait.ge [sflag:s25], $0x2800  }
0x91: {  	[sflag:s25] =	ssyncset.done $0x0  }
0x92: {  	[sflag:s25] =	ssyncadd.s32 $0xFFFFD800  }
0x93: {  	[tilespmem:s24], [sflag:$0x2] =	stream.linear.gather [spmem:s11], $0x2800, $0x38;
	[tilespmem:$0x1E800] =	vst v63  }
0x94: {  	_ =	swait.ge [sflag:s25], $0x2800  }
0x95: {  	[sflag:s25] =	ssyncset.done $0x0  }
0x96: {  	[sflag:s25] =	ssyncadd.s32 $0xFFFFD800  }
0x97: {  	[hbm4b:s21+s2] =	stream.linear.scatter [tilespmem:s24], [sflag:$0x2], $0x2800, $0x38;
	[tilespmem:$0x1E800] =	vst v63  }
0x98: {  	_ =	swait.ge [sflag:s25], $0x2800  }
0x99: {  	[sflag:s25] =	ssyncset.done $0x0  }
0x9a: {  	[sflag:s25] =	ssyncadd.s32 $0xFFFFD800  }
0x9b: {  	[tilespmem:s24], [sflag:$0x2] =	stream.linear.gather [spmem:s13], $0x2800, $0x38;
	[tilespmem:$0x1E800] =	vst v63  }
0x9c: {  	s30 =	sadd.s32 $0x1, s30;
	_ =	swait.ge [sflag:s25], $0x2800  }
0x9d: {  	p0 =	sne.s32 s30, s23;
	[sflag:s25] =	ssyncset.done $0x0  }
.Ltmp2:
0x9e: {  	[sflag:s25] =	ssyncadd.s32 $0xFFFFD800;
	(pc) =	sbr.rel @p0 .LBB2_1-.Ltmp2, $4  }
0x9f: {  	[hbm4b:s22+s2] =	stream.linear.scatter [tilespmem:s24], [sflag:$0x2], $0x2800, $0x38;
	[tilespmem:$0x1E800] =	vst v63  }
0xa0: {  	_ =	swait.ge [sflag:s25], $0x2800  }
0xa1: {  	[sflag:s25] =	ssyncset.done $0x0  }
0xa2: {  	[sflag:s25] =	ssyncadd.s32 $0xFFFFD800  }
0xa3: {  	_ =	sfence.sel $0x180000  }
0xa4: {  	[bflag:$0x0] =	sbarrier.arrive $0xFFFF  }
0xa5: {  	_ =	strace $0x9000004A  }
0xa6: {  	s0 =	stileid.u32;
	[bflag:$0x2] =	sbarrier.arrive $0xFFFF  }
0xa7: {  	p0 =	sne.s32 s0, $0x0;
	s0 =	rddreg [dreg:$0x3]  }
0xa8: {  	s0 =	sadd.s32 @!p0 $0x100000, s0  }
0xa9: {  	[sflag:s0] =	ssyncadd.tile.s32 @!p0 $0x1;
	_ =	shalt  }
.Lfunc_end2:
_tile_overlayer_lowered:
.L_overlay_start_2:
0xaa: {  	(tag) =	ssettag $0x2  }
0xab: {  	s0 =	rddreg [dreg:$0x0];
	s2 =	stileid.u32  }
0xac: {  	s1 =	rddreg [dreg:$0x1];
	p0 =	sne.s32 s2, $0x0  }
0xad: {  	s3 =	rddreg [dreg:$0x2];
	[bflag:$0x3] =	sbarrier.arrive $0xFFFF;
	s2 =	simm.s32 @!p0 $0x1C02  }
0xae: {  	[timem:s3], [sflag:s2] =	dma.local @!p0 [hbm:s0], s1  }
0xaf: {  	s0 =	simm.s32 @!p0 $0x2  }
0xb0: {  	_ =	swait.ge @!p0 [sflag:s0], s1  }
0xb1: {  	s1 =	ssub.s32 @!p0 $0x0, s1;
	[sflag:s0] =	ssyncset.done @!p0 $0x0  }
0xb2: {  	[sflag:s0] =	ssyncadd.s32 @!p0 s1  }
0xb3: {  	[bflag:$0x3] =	sbarrier.arrive $0xFFFF  }
0xb4: {  	_ =	shalt  }

</sc_bundles>
